<compile_context>
chip_gen: v7x
topology: tpu7x:2x2x1
jax: 0.10.2.dev20260603
libtpu: 0.0.44.dev20260713+nightly
codegen_flags: <defaults>
</compile_context>

<pallas_src>
import jax
import jax.numpy as jnp
from jax import lax
from jax.experimental import pallas as pl
from jax.experimental.pallas import tpu as pltpu
from jax.experimental.pallas import tpu_sc as plsc

RESOLUTION = 2048
TABLE_SIZE = 2097152
MASK = TABLE_SIZE - 1
PI2_I32 = -1640531535

NC = 2
NS = 16
NW = NC * NS

C = 2048


def _ingp_body(x_hbm, table_hbm, out_hbm, xc_v, idx_v, w_v, rows_v, out_v, sem):
    i32 = jnp.int32
    wid = lax.axis_index("s") * i32(NC) + lax.axis_index("c")
    bpw = x_hbm.shape[0] // NW
    nchunk = bpw // C
    base0 = wid * i32(bpw)

    iota = lax.iota(jnp.int32, 16)
    iota2 = iota * i32(2)
    lane4 = iota >> 2
    col4 = iota & 3
    res_f = jnp.float32(RESOLUTION)
    one_f = jnp.float32(1.0)
    pi2 = jnp.int32(PI2_I32)
    mask = jnp.int32(MASK)

    def chunk_body(ci, _):
        base = base0 + ci * i32(C)
        pltpu.sync_copy(x_hbm.at[pl.ds(base * i32(2), 2 * C)], xc_v)

        @plsc.parallel_loop(i32(0), i32(C // 16), i32(1), unroll=4)
        def comp_a(i):
            o2 = iota2 + i * i32(32)
            xs0 = plsc.load_gather(xc_v, [o2]) * res_f
            xs1 = plsc.load_gather(xc_v, [o2 + i32(1)]) * res_f
            c0 = xs0.astype(jnp.int32)
            c1 = xs1.astype(jnp.int32)
            f0 = xs0 - c0.astype(jnp.float32)
            f1 = xs1 - c1.astype(jnp.float32)
            g0 = one_f - f0
            g1 = one_f - f1
            t0 = c1 * pi2
            t1 = t0 + pi2
            c0p = c0 + 1
            o = i * i32(16)
            idx_v[pl.ds(o, 16)] = (c0 ^ t0) & mask
            idx_v[pl.ds(i32(C) + o, 16)] = (c0 ^ t1) & mask
            idx_v[pl.ds(i32(2 * C) + o, 16)] = (c0p ^ t0) & mask
            idx_v[pl.ds(i32(3 * C) + o, 16)] = (c0p ^ t1) & mask
            w_v[pl.ds(o, 16)] = g0 * g1
            w_v[pl.ds(i32(C) + o, 16)] = g0 * f1
            w_v[pl.ds(i32(2 * C) + o, 16)] = f0 * g1
            w_v[pl.ds(i32(3 * C) + o, 16)] = f0 * f1

        pltpu.async_copy(table_hbm.at[idx_v], rows_v, sem).wait()

        @plsc.parallel_loop(i32(0), i32(C // 4), i32(1), unroll=8)
        def comp_c(g):
            p = g * i32(4)
            o = g * i32(16)
            r0 = lane4 + p
            acc = None
            for k in range(4):
                rv = plsc.load_gather(rows_v, [r0 + i32(k * C), col4])
                wv = plsc.load_gather(w_v, [lane4 + (p + i32(k * C))])
                acc = rv * wv if acc is None else acc + rv * wv
            out_v[pl.ds(o, 16)] = acc

        pltpu.sync_copy(out_v, out_hbm.at[pl.ds(base * i32(4), 4 * C)])
        return 0

    lax.fori_loop(i32(0), i32(nchunk), chunk_body, 0)


@jax.jit
def kernel(x, table):
    B = x.shape[0]
    F = table.shape[1]
    mesh = plsc.VectorSubcoreMesh(core_axis_name="c", subcore_axis_name="s")
    run = pl.kernel(
        _ingp_body,
        mesh=mesh,
        compiler_params=pltpu.CompilerParams(needs_layout_passes=False, use_tc_tiling_on_sc=False),
        out_type=jax.ShapeDtypeStruct((B * F,), jnp.float32),
        scratch_types=[
            pltpu.VMEM((2 * C,), jnp.float32),
            pltpu.VMEM((4 * C,), jnp.int32),
            pltpu.VMEM((4 * C,), jnp.float32),
            pltpu.VMEM((4 * C, 4), jnp.float32),
            pltpu.VMEM((4 * C,), jnp.float32),
            pltpu.SemaphoreType.DMA,
        ],
    )
    out_flat = run(x.reshape(-1), table)
    return out_flat.reshape(B, F)

# --- scband reference (transcript-rebuilt; emitter-appended) ---
"""Pipeline reference for scband-ingptable-8057358647426 (READ-ONLY COPY).

The authoritative reference and input builder live on the scoring server;
editing this copy changes nothing except your own understanding.
"""

import jax
jax.config.update("jax_enable_x64", True)
import jax.numpy as jnp
import numpy as np

RESOLUTION = 2048
TABLE_SIZE = 2097152
N_FEATURES = 4
PI1 = 1
PI2 = 2654435761


def setup_inputs(seed: int = 0) -> dict:
    key = jax.random.key(seed)
    k1, k2 = jax.random.split(key)
    x = jax.random.uniform(k1, (1048576, 2), dtype=jnp.float32)
    # table_size (2^21) < (resolution+1)^2 = 2049^2 -> non-bijective (hash) path
    table = (jax.random.uniform(k2, (TABLE_SIZE, N_FEATURES), dtype=jnp.float32) * 2 - 1) * 1e-4
    return {"x": x, "table": table}


def _hash(corners):
    # corners: int64 [B, 4, 2]
    y1 = jnp.int64(PI1) * corners[..., 0]
    y2 = jnp.int64(PI2) * corners[..., 1]
    y = jnp.bitwise_xor(y1, y2)
    return jnp.remainder(y, TABLE_SIZE)


def reference(x, table):
    x_scaled = x * RESOLUTION
    x_floor = jnp.floor(x_scaled)
    x_ceil = x_floor + 1
    x_lim = jnp.stack((x_floor, x_ceil), axis=1)  # [B, 2, 2]
    idx_list = [(0, 0), (0, 1), (1, 0), (1, 1)]
    corners = jnp.stack(
        [x_lim[:, jnp.array([i, j]), jnp.arange(2)] for i, j in idx_list], axis=1
    ).astype(jnp.int64)  # [B, 4, 2]
    feature_idx = _hash(corners)  # [B, 4]
    features = table[feature_idx]  # [B, 4, F]
    x_diff = x_scaled[:, None, :] - corners.astype(x_scaled.dtype)
    x_diff = jnp.abs(x_diff)
    weights = jnp.prod(1 - x_diff, axis=-1)  # [B, 4]
    output = jnp.sum(features * weights[..., None], axis=1)  # [B, F]
    return output

if __name__ == "__main__":
    import jax
    _d = setup_inputs()
    print(jax.jit(kernel)(*tuple(_d.values())))

</pallas_src>

<mosaic_0001>
#map = affine_map<(d0, d1) -> (0)>
#map1 = affine_map<(d0, d1) -> (0, 0)>
module attributes {stable_mosaic.version = 14 : i64} {
  func.func @_ingp_body(%arg0: i32, %arg1: i32, %arg2: memref<2097152xf32, #tpu.memory_space<hbm>>, %arg3: memref<2097152x4xf32, #tpu.memory_space<hbm>>, %arg4: memref<4194304xf32, #tpu.memory_space<hbm>>, %arg5: memref<4096xf32, #tpu.memory_space<vmem>>, %arg6: memref<8192xi32, #tpu.memory_space<vmem>>, %arg7: memref<8192xf32, #tpu.memory_space<vmem>>, %arg8: memref<8192x4xf32, #tpu.memory_space<vmem>>, %arg9: memref<8192xf32, #tpu.memory_space<vmem>>, %arg10: memref<!tpu.dma_semaphore, #tpu.memory_space<semaphore_mem>>) attributes {dimension_semantics = [#tpu.dimension_semantics<core_parallel>, #tpu.dimension_semantics<subcore_parallel>], iteration_bounds = array<i64: 2, 16>, scalar_prefetch = 0 : i64, scratch_operands = 6 : i64, tpu.core_type = #tpu.core_type<sc_vector_subcore>, window_params = [{transform_indices = #map}, {transform_indices = #map1}, {transform_indices = #map}]} {
    %mul3A = arith.constant 2 : i32
    %mul3A_0 = arith.muli %arg1, %mul3A : i32
    %add3A = arith.addi %mul3A_0, %arg0 : i32
    %mul3A_1 = arith.constant 65536 : i32
    %mul3A_2 = arith.muli %add3A, %mul3A_1 : i32
    %iota3A = tpu.iota {dimensions = array<i32: 0>} : vector<16xi32>
    %mul3A_3 = arith.constant 2 : i32
    %mul3A_4 = vector.broadcast %mul3A_3 : i32 to vector<16xi32>
    %mul3A_5 = arith.muli %iota3A, %mul3A_4 : vector<16xi32>
    %shift_right_arithmetic3A = arith.constant 2 : i32
    %shift_right_arithmetic3A_6 = vector.broadcast %shift_right_arithmetic3A : i32 to vector<16xi32>
    %shift_right_arithmetic3A_7 = arith.shrsi %iota3A, %shift_right_arithmetic3A_6 : vector<16xi32>
    %and3A = arith.constant 3 : i32
    %and3A_8 = vector.broadcast %and3A : i32 to vector<16xi32>
    %and3A_9 = arith.andi %iota3A, %and3A_8 : vector<16xi32>
    %while3A = arith.constant 2.048000e+03 : f32
    %while3A_10 = arith.constant 1.000000e+00 : f32
    %while3A_11 = arith.constant -1640531535 : i32
    %while3A_12 = arith.constant 2097151 : i32
    %while3A_13 = arith.constant 0 : i32
    %while3A_14 = arith.constant 32 : i32
    %while3A_15 = arith.constant 0 : i64
    %while3A_16 = arith.subi %while3A_14, %while3A_13 : i32
    %while3A_17 = arith.addi %while3A_13, %while3A_16 : i32
    %while3A_18 = arith.constant 1 : i32
    %while3A_19 = arith.divsi %while3A_16, %while3A_18 : i32
    %while3A_20 = arith.muli %while3A_19, %while3A_18 : i32
    %while3A_21 = arith.addi %while3A_13, %while3A_20 : i32
    %while3A_22 = arith.constant 1 : i32
    %while3A_23 = scf.for %while3A_26 = %while3A_13 to %while3A_21 step %while3A_22 iter_args(%while3A_27 = %while3A_15) -> (i64)  : i32 {
      %mul3A_28 = arith.constant 2048 : i32
      %mul3A_29 = arith.muli %while3A_26, %mul3A_28 : i32
      %add3A_30 = arith.addi %mul3A_2, %mul3A_29 : i32
      %mul3A_31 = arith.constant 2 : i32
      %mul3A_32 = arith.muli %add3A_30, %mul3A_31 : i32
      "tpu.region"() ({
        %run_scoped3A = tpu.sem_alloc : memref<!tpu.dma_semaphore, #tpu.memory_space<semaphore_mem>>
        %dma_start3A_45 = tpu.memref_slice %arg2[%mul3A_32] : memref<2097152xf32, #tpu.memory_space<hbm>> -> memref<4096xf32, #tpu.memory_space<hbm>>
        %dma_start3A_46 = tpu.memref_slice %arg2[%mul3A_32] : memref<2097152xf32, #tpu.memory_space<hbm>> -> memref<4096xf32, #tpu.memory_space<hbm>>
        tpu.enqueue_dma source(%dma_start3A_46 : memref<4096xf32, #tpu.memory_space<hbm>>) target(%arg5 : memref<4096xf32, #tpu.memory_space<vmem>>) target_semaphore(%run_scoped3A : memref<!tpu.dma_semaphore, #tpu.memory_space<semaphore_mem>>)
        %dma_wait3A_47 = tpu.memref_slice %arg2[%mul3A_32] : memref<2097152xf32, #tpu.memory_space<hbm>> -> memref<4096xf32, #tpu.memory_space<hbm>>
        %dma_wait3A_48 = tpu.memref_slice %arg2[%mul3A_32] : memref<2097152xf32, #tpu.memory_space<hbm>> -> memref<4096xf32, #tpu.memory_space<hbm>>
        tpu.wait_dma2 semaphore(%run_scoped3A : memref<!tpu.dma_semaphore, #tpu.memory_space<semaphore_mem>>) src(%dma_wait3A_48 : memref<4096xf32, #tpu.memory_space<hbm>>) dst(%arg5 : memref<4096xf32, #tpu.memory_space<vmem>>)
        tpu.yield
      }) : () -> ()
      %parallel_loop3A = arith.constant 0 : i32
      %parallel_loop3A_33 = arith.constant 128 : i32
      %parallel_loop3A_34 = arith.constant 1 : i32
      scf.for %parallel_loop3A_45 = %parallel_loop3A to %parallel_loop3A_33 step %parallel_loop3A_34  : i32 {
        %parallel_loop3A_46 = arith.constant 32 : i32
        %parallel_loop3A_47 = arith.muli %parallel_loop3A_45, %parallel_loop3A_46 : i32
        %parallel_loop3A_48 = vector.broadcast %parallel_loop3A_47 : i32 to vector<16xi32>
        %parallel_loop3A_49 = arith.addi %mul3A_5, %parallel_loop3A_48 : vector<16xi32>
        %parallel_loop3A_50 = tpu.vector_load_idx %arg5[%parallel_loop3A_49] : memref<4096xf32, #tpu.memory_space<vmem>>[vector<16xi32>], vector<16xf32>,
        %parallel_loop3A_51 = vector.broadcast %while3A : f32 to vector<16xf32>
        %parallel_loop3A_52 = arith.mulf %parallel_loop3A_50, %parallel_loop3A_51 : vector<16xf32>
        %parallel_loop3A_53 = arith.constant 1 : i32
        %parallel_loop3A_54 = vector.broadcast %parallel_loop3A_53 : i32 to vector<16xi32>
        %parallel_loop3A_55 = arith.addi %parallel_loop3A_49, %parallel_loop3A_54 : vector<16xi32>
        %parallel_loop3A_56 = tpu.vector_load_idx %arg5[%parallel_loop3A_55] : memref<4096xf32, #tpu.memory_space<vmem>>[vector<16xi32>], vector<16xf32>,
        %parallel_loop3A_57 = vector.broadcast %while3A : f32 to vector<16xf32>
        %parallel_loop3A_58 = arith.mulf %parallel_loop3A_56, %parallel_loop3A_57 : vector<16xf32>
        %parallel_loop3A_59 = arith.fptosi %parallel_loop3A_52 : vector<16xf32> to vector<16xi32>
        %parallel_loop3A_60 = arith.fptosi %parallel_loop3A_58 : vector<16xf32> to vector<16xi32>
        %parallel_loop3A_61 = arith.sitofp %parallel_loop3A_59 : vector<16xi32> to vector<16xf32>
        %parallel_loop3A_62 = arith.subf %parallel_loop3A_52, %parallel_loop3A_61 : vector<16xf32>
        %parallel_loop3A_63 = arith.sitofp %parallel_loop3A_60 : vector<16xi32> to vector<16xf32>
        %parallel_loop3A_64 = arith.subf %parallel_loop3A_58, %parallel_loop3A_63 : vector<16xf32>
        %parallel_loop3A_65 = vector.broadcast %while3A_10 : f32 to vector<16xf32>
        %parallel_loop3A_66 = arith.subf %parallel_loop3A_65, %parallel_loop3A_62 : vector<16xf32>
        %parallel_loop3A_67 = vector.broadcast %while3A_10 : f32 to vector<16xf32>
        %parallel_loop3A_68 = arith.subf %parallel_loop3A_67, %parallel_loop3A_64 : vector<16xf32>
        %parallel_loop3A_69 = vector.broadcast %while3A_11 : i32 to vector<16xi32>
        %parallel_loop3A_70 = arith.muli %parallel_loop3A_60, %parallel_loop3A_69 : vector<16xi32>
        %parallel_loop3A_71 = vector.broadcast %while3A_11 : i32 to vector<16xi32>
        %parallel_loop3A_72 = arith.addi %parallel_loop3A_70, %parallel_loop3A_71 : vector<16xi32>
        %parallel_loop3A_73 = arith.constant 1 : i32
        %parallel_loop3A_74 = vector.broadcast %parallel_loop3A_73 : i32 to vector<16xi32>
        %parallel_loop3A_75 = arith.addi %parallel_loop3A_59, %parallel_loop3A_74 : vector<16xi32>
        %parallel_loop3A_76 = arith.constant 16 : i32
        %parallel_loop3A_77 = arith.muli %parallel_loop3A_45, %parallel_loop3A_76 : i32
        %parallel_loop3A_78 = arith.xori %parallel_loop3A_59, %parallel_loop3A_70 : vector<16xi32>
        %parallel_loop3A_79 = vector.broadcast %while3A_12 : i32 to vector<16xi32>
        %parallel_loop3A_80 = arith.andi %parallel_loop3A_78, %parallel_loop3A_79 : vector<16xi32>
        %parallel_loop3A_81 = arith.index_cast %parallel_loop3A_77 : i32 to index
        %parallel_loop3A_82 = tpu.vector_load %arg6[%parallel_loop3A_81] {strides = array<i32>} : memref<8192xi32, #tpu.memory_space<vmem>>, vector<16xi32>,
        tpu.vector_store %arg6[%parallel_loop3A_81], %parallel_loop3A_80 {strides = array<i32>} : memref<8192xi32, #tpu.memory_space<vmem>>, vector<16xi32>,
        %parallel_loop3A_83 = arith.xori %parallel_loop3A_59, %parallel_loop3A_72 : vector<16xi32>
        %parallel_loop3A_84 = vector.broadcast %while3A_12 : i32 to vector<16xi32>
        %parallel_loop3A_85 = arith.andi %parallel_loop3A_83, %parallel_loop3A_84 : vector<16xi32>
        %parallel_loop3A_86 = arith.constant 2048 : i32
        %parallel_loop3A_87 = arith.addi %parallel_loop3A_86, %parallel_loop3A_77 : i32
        %parallel_loop3A_88 = arith.index_cast %parallel_loop3A_87 : i32 to index
        %parallel_loop3A_89 = tpu.vector_load %arg6[%parallel_loop3A_88] {strides = array<i32>} : memref<8192xi32, #tpu.memory_space<vmem>>, vector<16xi32>,
        tpu.vector_store %arg6[%parallel_loop3A_88], %parallel_loop3A_85 {strides = array<i32>} : memref<8192xi32, #tpu.memory_space<vmem>>, vector<16xi32>,
        %parallel_loop3A_90 = arith.xori %parallel_loop3A_75, %parallel_loop3A_70 : vector<16xi32>
        %parallel_loop3A_91 = vector.broadcast %while3A_12 : i32 to vector<16xi32>
        %parallel_loop3A_92 = arith.andi %parallel_loop3A_90, %parallel_loop3A_91 : vector<16xi32>
        %parallel_loop3A_93 = arith.constant 4096 : i32
        %parallel_loop3A_94 = arith.addi %parallel_loop3A_93, %parallel_loop3A_77 : i32
        %parallel_loop3A_95 = arith.index_cast %parallel_loop3A_94 : i32 to index
        %parallel_loop3A_96 = tpu.vector_load %arg6[%parallel_loop3A_95] {strides = array<i32>} : memref<8192xi32, #tpu.memory_space<vmem>>, vector<16xi32>,
        tpu.vector_store %arg6[%parallel_loop3A_95], %parallel_loop3A_92 {strides = array<i32>} : memref<8192xi32, #tpu.memory_space<vmem>>, vector<16xi32>,
        %parallel_loop3A_97 = arith.xori %parallel_loop3A_75, %parallel_loop3A_72 : vector<16xi32>
        %parallel_loop3A_98 = vector.broadcast %while3A_12 : i32 to vector<16xi32>
        %parallel_loop3A_99 = arith.andi %parallel_loop3A_97, %parallel_loop3A_98 : vector<16xi32>
        %parallel_loop3A_100 = arith.constant 6144 : i32
        %parallel_loop3A_101 = arith.addi %parallel_loop3A_100, %parallel_loop3A_77 : i32
        %parallel_loop3A_102 = arith.index_cast %parallel_loop3A_101 : i32 to index
        %parallel_loop3A_103 = tpu.vector_load %arg6[%parallel_loop3A_102] {strides = array<i32>} : memref<8192xi32, #tpu.memory_space<vmem>>, vector<16xi32>,
        tpu.vector_store %arg6[%parallel_loop3A_102], %parallel_loop3A_99 {strides = array<i32>} : memref<8192xi32, #tpu.memory_space<vmem>>, vector<16xi32>,
        %parallel_loop3A_104 = arith.mulf %parallel_loop3A_66, %parallel_loop3A_68 : vector<16xf32>
        %parallel_loop3A_105 = arith.index_cast %parallel_loop3A_77 : i32 to index
        %parallel_loop3A_106 = tpu.vector_load %arg7[%parallel_loop3A_105] {strides = array<i32>} : memref<8192xf32, #tpu.memory_space<vmem>>, vector<16xf32>,
        tpu.vector_store %arg7[%parallel_loop3A_105], %parallel_loop3A_104 {strides = array<i32>} : memref<8192xf32, #tpu.memory_space<vmem>>, vector<16xf32>,
        %parallel_loop3A_107 = arith.mulf %parallel_loop3A_66, %parallel_loop3A_64 : vector<16xf32>
        %parallel_loop3A_108 = arith.constant 2048 : i32
        %parallel_loop3A_109 = arith.addi %parallel_loop3A_108, %parallel_loop3A_77 : i32
        %parallel_loop3A_110 = arith.index_cast %parallel_loop3A_109 : i32 to index
        %parallel_loop3A_111 = tpu.vector_load %arg7[%parallel_loop3A_110] {strides = array<i32>} : memref<8192xf32, #tpu.memory_space<vmem>>, vector<16xf32>,
        tpu.vector_store %arg7[%parallel_loop3A_110], %parallel_loop3A_107 {strides = array<i32>} : memref<8192xf32, #tpu.memory_space<vmem>>, vector<16xf32>,
        %parallel_loop3A_112 = arith.mulf %parallel_loop3A_62, %parallel_loop3A_68 : vector<16xf32>
        %parallel_loop3A_113 = arith.constant 4096 : i32
        %parallel_loop3A_114 = arith.addi %parallel_loop3A_113, %parallel_loop3A_77 : i32
        %parallel_loop3A_115 = arith.index_cast %parallel_loop3A_114 : i32 to index
        %parallel_loop3A_116 = tpu.vector_load %arg7[%parallel_loop3A_115] {strides = array<i32>} : memref<8192xf32, #tpu.memory_space<vmem>>, vector<16xf32>,
        tpu.vector_store %arg7[%parallel_loop3A_115], %parallel_loop3A_112 {strides = array<i32>} : memref<8192xf32, #tpu.memory_space<vmem>>, vector<16xf32>,
        %parallel_loop3A_117 = arith.mulf %parallel_loop3A_62, %parallel_loop3A_64 : vector<16xf32>
        %parallel_loop3A_118 = arith.constant 6144 : i32
        %parallel_loop3A_119 = arith.addi %parallel_loop3A_118, %parallel_loop3A_77 : i32
        %parallel_loop3A_120 = arith.index_cast %parallel_loop3A_119 : i32 to index
        %parallel_loop3A_121 = tpu.vector_load %arg7[%parallel_loop3A_120] {strides = array<i32>} : memref<8192xf32, #tpu.memory_space<vmem>>, vector<16xf32>,
        tpu.vector_store %arg7[%parallel_loop3A_120], %parallel_loop3A_117 {strides = array<i32>} : memref<8192xf32, #tpu.memory_space<vmem>>, vector<16xf32>,
      } {sc.loop_unroll_factor = 4 : i64, sc.parallel_access}
      %dma_start3A = arith.constant 0 : i32
      %dma_start3A_35 = arith.constant 0 : i32
      %dma_start3A_36 = tpu.memref_slice %arg3[%dma_start3A, %dma_start3A_35] : memref<2097152x4xf32, #tpu.memory_space<hbm>> -> memref<2097152x4xf32, #tpu.memory_space<hbm>>
      tpu.enqueue_indirect_dma source(%dma_start3A_36 : memref<2097152x4xf32, #tpu.memory_space<hbm>>) target(%arg8 : memref<8192x4xf32, #tpu.memory_space<vmem>>) offsets(%arg6 : memref<8192xi32, #tpu.memory_space<vmem>>) semaphore(%arg10 : memref<!tpu.dma_semaphore, #tpu.memory_space<semaphore_mem>>)
      %dma_wait3A = arith.constant 0 : i32
      %dma_wait3A_37 = arith.constant 0 : i32
      %dma_wait3A_38 = tpu.memref_slice %arg3[%dma_wait3A, %dma_wait3A_37] : memref<2097152x4xf32, #tpu.memory_space<hbm>> -> memref<2097152x4xf32, #tpu.memory_space<hbm>>
      tpu.wait_indirect_dma semaphore(%arg10 : memref<!tpu.dma_semaphore, #tpu.memory_space<semaphore_mem>>) src(%dma_wait3A_38 : memref<2097152x4xf32, #tpu.memory_space<hbm>>) dst(%arg8 : memref<8192x4xf32, #tpu.memory_space<vmem>>)
      %parallel_loop3A_39 = arith.constant 0 : i32
      %parallel_loop3A_40 = arith.constant 512 : i32
      %parallel_loop3A_41 = arith.constant 1 : i32
      scf.for %parallel_loop3A_45 = %parallel_loop3A_39 to %parallel_loop3A_40 step %parallel_loop3A_41  : i32 {
        %parallel_loop3A_46 = arith.constant 4 : i32
        %parallel_loop3A_47 = arith.muli %parallel_loop3A_45, %parallel_loop3A_46 : i32
        %parallel_loop3A_48 = arith.constant 16 : i32
        %parallel_loop3A_49 = arith.muli %parallel_loop3A_45, %parallel_loop3A_48 : i32
        %parallel_loop3A_50 = vector.broadcast %parallel_loop3A_47 : i32 to vector<16xi32>
        %parallel_loop3A_51 = arith.addi %shift_right_arithmetic3A_7, %parallel_loop3A_50 : vector<16xi32>
        %parallel_loop3A_52 = arith.constant 0 : i32
        %parallel_loop3A_53 = vector.broadcast %parallel_loop3A_52 : i32 to vector<16xi32>
        %parallel_loop3A_54 = arith.addi %parallel_loop3A_51, %parallel_loop3A_53 : vector<16xi32>
        %parallel_loop3A_55 = tpu.vector_load_idx %arg8[%parallel_loop3A_54, %and3A_9] : memref<8192x4xf32, #tpu.memory_space<vmem>>[vector<16xi32>, vector<16xi32>], vector<16xf32>,
        %parallel_loop3A_56 = arith.constant 0 : i32
        %parallel_loop3A_57 = arith.addi %parallel_loop3A_47, %parallel_loop3A_56 : i32
        %parallel_loop3A_58 = vector.broadcast %parallel_loop3A_57 : i32 to vector<16xi32>
        %parallel_loop3A_59 = arith.addi %shift_right_arithmetic3A_7, %parallel_loop3A_58 : vector<16xi32>
        %parallel_loop3A_60 = tpu.vector_load_idx %arg7[%parallel_loop3A_59] : memref<8192xf32, #tpu.memory_space<vmem>>[vector<16xi32>], vector<16xf32>,
        %parallel_loop3A_61 = arith.mulf %parallel_loop3A_55, %parallel_loop3A_60 : vector<16xf32>
        %parallel_loop3A_62 = arith.constant 2048 : i32
        %parallel_loop3A_63 = vector.broadcast %parallel_loop3A_62 : i32 to vector<16xi32>
        %parallel_loop3A_64 = arith.addi %parallel_loop3A_51, %parallel_loop3A_63 : vector<16xi32>
        %parallel_loop3A_65 = tpu.vector_load_idx %arg8[%parallel_loop3A_64, %and3A_9] : memref<8192x4xf32, #tpu.memory_space<vmem>>[vector<16xi32>, vector<16xi32>], vector<16xf32>,
        %parallel_loop3A_66 = arith.constant 2048 : i32
        %parallel_loop3A_67 = arith.addi %parallel_loop3A_47, %parallel_loop3A_66 : i32
        %parallel_loop3A_68 = vector.broadcast %parallel_loop3A_67 : i32 to vector<16xi32>
        %parallel_loop3A_69 = arith.addi %shift_right_arithmetic3A_7, %parallel_loop3A_68 : vector<16xi32>
        %parallel_loop3A_70 = tpu.vector_load_idx %arg7[%parallel_loop3A_69] : memref<8192xf32, #tpu.memory_space<vmem>>[vector<16xi32>], vector<16xf32>,
        %parallel_loop3A_71 = arith.mulf %parallel_loop3A_65, %parallel_loop3A_70 : vector<16xf32>
        %parallel_loop3A_72 = arith.addf %parallel_loop3A_61, %parallel_loop3A_71 : vector<16xf32>
        %parallel_loop3A_73 = arith.constant 4096 : i32
        %parallel_loop3A_74 = vector.broadcast %parallel_loop3A_73 : i32 to vector<16xi32>
        %parallel_loop3A_75 = arith.addi %parallel_loop3A_51, %parallel_loop3A_74 : vector<16xi32>
        %parallel_loop3A_76 = tpu.vector_load_idx %arg8[%parallel_loop3A_75, %and3A_9] : memref<8192x4xf32, #tpu.memory_space<vmem>>[vector<16xi32>, vector<16xi32>], vector<16xf32>,
        %parallel_loop3A_77 = arith.constant 4096 : i32
        %parallel_loop3A_78 = arith.addi %parallel_loop3A_47, %parallel_loop3A_77 : i32
        %parallel_loop3A_79 = vector.broadcast %parallel_loop3A_78 : i32 to vector<16xi32>
        %parallel_loop3A_80 = arith.addi %shift_right_arithmetic3A_7, %parallel_loop3A_79 : vector<16xi32>
        %parallel_loop3A_81 = tpu.vector_load_idx %arg7[%parallel_loop3A_80] : memref<8192xf32, #tpu.memory_space<vmem>>[vector<16xi32>], vector<16xf32>,
        %parallel_loop3A_82 = arith.mulf %parallel_loop3A_76, %parallel_loop3A_81 : vector<16xf32>
        %parallel_loop3A_83 = arith.addf %parallel_loop3A_72, %parallel_loop3A_82 : vector<16xf32>
        %parallel_loop3A_84 = arith.constant 6144 : i32
        %parallel_loop3A_85 = vector.broadcast %parallel_loop3A_84 : i32 to vector<16xi32>
        %parallel_loop3A_86 = arith.addi %parallel_loop3A_51, %parallel_loop3A_85 : vector<16xi32>
        %parallel_loop3A_87 = tpu.vector_load_idx %arg8[%parallel_loop3A_86, %and3A_9] : memref<8192x4xf32, #tpu.memory_space<vmem>>[vector<16xi32>, vector<16xi32>], vector<16xf32>,
        %parallel_loop3A_88 = arith.constant 6144 : i32
        %parallel_loop3A_89 = arith.addi %parallel_loop3A_47, %parallel_loop3A_88 : i32
        %parallel_loop3A_90 = vector.broadcast %parallel_loop3A_89 : i32 to vector<16xi32>
        %parallel_loop3A_91 = arith.addi %shift_right_arithmetic3A_7, %parallel_loop3A_90 : vector<16xi32>
        %parallel_loop3A_92 = tpu.vector_load_idx %arg7[%parallel_loop3A_91] : memref<8192xf32, #tpu.memory_space<vmem>>[vector<16xi32>], vector<16xf32>,
        %parallel_loop3A_93 = arith.mulf %parallel_loop3A_87, %parallel_loop3A_92 : vector<16xf32>
        %parallel_loop3A_94 = arith.addf %parallel_loop3A_83, %parallel_loop3A_93 : vector<16xf32>
        %parallel_loop3A_95 = arith.index_cast %parallel_loop3A_49 : i32 to index
        %parallel_loop3A_96 = tpu.vector_load %arg9[%parallel_loop3A_95] {strides = array<i32>} : memref<8192xf32, #tpu.memory_space<vmem>>, vector<16xf32>,
        tpu.vector_store %arg9[%parallel_loop3A_95], %parallel_loop3A_94 {strides = array<i32>} : memref<8192xf32, #tpu.memory_space<vmem>>, vector<16xf32>,
      } {sc.loop_unroll_factor = 8 : i64, sc.parallel_access}
      %mul3A_42 = arith.constant 4 : i32
      %mul3A_43 = arith.muli %add3A_30, %mul3A_42 : i32
      "tpu.region"() ({
        %run_scoped3A = tpu.sem_alloc : memref<!tpu.dma_semaphore, #tpu.memory_space<semaphore_mem>>
        %dma_start3A_45 = tpu.memref_slice %arg4[%mul3A_43] : memref<4194304xf32, #tpu.memory_space<hbm>> -> memref<8192xf32, #tpu.memory_space<hbm>>
        %dma_start3A_46 = tpu.memref_slice %arg4[%mul3A_43] : memref<4194304xf32, #tpu.memory_space<hbm>> -> memref<8192xf32, #tpu.memory_space<hbm>>
        tpu.enqueue_dma source(%arg9 : memref<8192xf32, #tpu.memory_space<vmem>>) target(%dma_start3A_46 : memref<8192xf32, #tpu.memory_space<hbm>>) target_semaphore(%run_scoped3A : memref<!tpu.dma_semaphore, #tpu.memory_space<semaphore_mem>>)
        %dma_wait3A_47 = tpu.memref_slice %arg4[%mul3A_43] : memref<4194304xf32, #tpu.memory_space<hbm>> -> memref<8192xf32, #tpu.memory_space<hbm>>
        %dma_wait3A_48 = tpu.memref_slice %arg4[%mul3A_43] : memref<4194304xf32, #tpu.memory_space<hbm>> -> memref<8192xf32, #tpu.memory_space<hbm>>
        tpu.wait_dma2 semaphore(%run_scoped3A : memref<!tpu.dma_semaphore, #tpu.memory_space<semaphore_mem>>) src(%arg9 : memref<8192xf32, #tpu.memory_space<vmem>>) dst(%dma_wait3A_48 : memref<8192xf32, #tpu.memory_space<hbm>>)
        tpu.yield
      }) : () -> ()
      %while3A_44 = arith.constant 0 : i64
      scf.yield %while3A_44 : i64
    }
    %while3A_24 = arith.constant 1 : i32
    %while3A_25 = scf.for %while3A_26 = %while3A_21 to %while3A_17 step %while3A_24 iter_args(%while3A_27 = %while3A_23) -> (i64)  : i32 {
      %mul3A_28 = arith.constant 2048 : i32
      %mul3A_29 = arith.muli %while3A_26, %mul3A_28 : i32
      %add3A_30 = arith.addi %mul3A_2, %mul3A_29 : i32
      %mul3A_31 = arith.constant 2 : i32
      %mul3A_32 = arith.muli %add3A_30, %mul3A_31 : i32
      "tpu.region"() ({
        %run_scoped3A = tpu.sem_alloc : memref<!tpu.dma_semaphore, #tpu.memory_space<semaphore_mem>>
        %dma_start3A_45 = tpu.memref_slice %arg2[%mul3A_32] : memref<2097152xf32, #tpu.memory_space<hbm>> -> memref<4096xf32, #tpu.memory_space<hbm>>
        %dma_start3A_46 = tpu.memref_slice %arg2[%mul3A_32] : memref<2097152xf32, #tpu.memory_space<hbm>> -> memref<4096xf32, #tpu.memory_space<hbm>>
        tpu.enqueue_dma source(%dma_start3A_46 : memref<4096xf32, #tpu.memory_space<hbm>>) target(%arg5 : memref<4096xf32, #tpu.memory_space<vmem>>) target_semaphore(%run_scoped3A : memref<!tpu.dma_semaphore, #tpu.memory_space<semaphore_mem>>)
        %dma_wait3A_47 = tpu.memref_slice %arg2[%mul3A_32] : memref<2097152xf32, #tpu.memory_space<hbm>> -> memref<4096xf32, #tpu.memory_space<hbm>>
        %dma_wait3A_48 = tpu.memref_slice %arg2[%mul3A_32] : memref<2097152xf32, #tpu.memory_space<hbm>> -> memref<4096xf32, #tpu.memory_space<hbm>>
        tpu.wait_dma2 semaphore(%run_scoped3A : memref<!tpu.dma_semaphore, #tpu.memory_space<semaphore_mem>>) src(%dma_wait3A_48 : memref<4096xf32, #tpu.memory_space<hbm>>) dst(%arg5 : memref<4096xf32, #tpu.memory_space<vmem>>)
        tpu.yield
      }) : () -> ()
      %parallel_loop3A = arith.constant 0 : i32
      %parallel_loop3A_33 = arith.constant 128 : i32
      %parallel_loop3A_34 = arith.constant 1 : i32
      scf.for %parallel_loop3A_45 = %parallel_loop3A to %parallel_loop3A_33 step %parallel_loop3A_34  : i32 {
        %parallel_loop3A_46 = arith.constant 32 : i32
        %parallel_loop3A_47 = arith.muli %parallel_loop3A_45, %parallel_loop3A_46 : i32
        %parallel_loop3A_48 = vector.broadcast %parallel_loop3A_47 : i32 to vector<16xi32>
        %parallel_loop3A_49 = arith.addi %mul3A_5, %parallel_loop3A_48 : vector<16xi32>
        %parallel_loop3A_50 = tpu.vector_load_idx %arg5[%parallel_loop3A_49] : memref<4096xf32, #tpu.memory_space<vmem>>[vector<16xi32>], vector<16xf32>,
        %parallel_loop3A_51 = vector.broadcast %while3A : f32 to vector<16xf32>
        %parallel_loop3A_52 = arith.mulf %parallel_loop3A_50, %parallel_loop3A_51 : vector<16xf32>
        %parallel_loop3A_53 = arith.constant 1 : i32
        %parallel_loop3A_54 = vector.broadcast %parallel_loop3A_53 : i32 to vector<16xi32>
        %parallel_loop3A_55 = arith.addi %parallel_loop3A_49, %parallel_loop3A_54 : vector<16xi32>
        %parallel_loop3A_56 = tpu.vector_load_idx %arg5[%parallel_loop3A_55] : memref<4096xf32, #tpu.memory_space<vmem>>[vector<16xi32>], vector<16xf32>,
        %parallel_loop3A_57 = vector.broadcast %while3A : f32 to vector<16xf32>
        %parallel_loop3A_58 = arith.mulf %parallel_loop3A_56, %parallel_loop3A_57 : vector<16xf32>
        %parallel_loop3A_59 = arith.fptosi %parallel_loop3A_52 : vector<16xf32> to vector<16xi32>
        %parallel_loop3A_60 = arith.fptosi %parallel_loop3A_58 : vector<16xf32> to vector<16xi32>
        %parallel_loop3A_61 = arith.sitofp %parallel_loop3A_59 : vector<16xi32> to vector<16xf32>
        %parallel_loop3A_62 = arith.subf %parallel_loop3A_52, %parallel_loop3A_61 : vector<16xf32>
        %parallel_loop3A_63 = arith.sitofp %parallel_loop3A_60 : vector<16xi32> to vector<16xf32>
        %parallel_loop3A_64 = arith.subf %parallel_loop3A_58, %parallel_loop3A_63 : vector<16xf32>
        %parallel_loop3A_65 = vector.broadcast %while3A_10 : f32 to vector<16xf32>
        %parallel_loop3A_66 = arith.subf %parallel_loop3A_65, %parallel_loop3A_62 : vector<16xf32>
        %parallel_loop3A_67 = vector.broadcast %while3A_10 : f32 to vector<16xf32>
        %parallel_loop3A_68 = arith.subf %parallel_loop3A_67, %parallel_loop3A_64 : vector<16xf32>
        %parallel_loop3A_69 = vector.broadcast %while3A_11 : i32 to vector<16xi32>
        %parallel_loop3A_70 = arith.muli %parallel_loop3A_60, %parallel_loop3A_69 : vector<16xi32>
        %parallel_loop3A_71 = vector.broadcast %while3A_11 : i32 to vector<16xi32>
        %parallel_loop3A_72 = arith.addi %parallel_loop3A_70, %parallel_loop3A_71 : vector<16xi32>
        %parallel_loop3A_73 = arith.constant 1 : i32
        %parallel_loop3A_74 = vector.broadcast %parallel_loop3A_73 : i32 to vector<16xi32>
        %parallel_loop3A_75 = arith.addi %parallel_loop3A_59, %parallel_loop3A_74 : vector<16xi32>
        %parallel_loop3A_76 = arith.constant 16 : i32
        %parallel_loop3A_77 = arith.muli %parallel_loop3A_45, %parallel_loop3A_76 : i32
        %parallel_loop3A_78 = arith.xori %parallel_loop3A_59, %parallel_loop3A_70 : vector<16xi32>
        %parallel_loop3A_79 = vector.broadcast %while3A_12 : i32 to vector<16xi32>
        %parallel_loop3A_80 = arith.andi %parallel_loop3A_78, %parallel_loop3A_79 : vector<16xi32>
        %parallel_loop3A_81 = arith.index_cast %parallel_loop3A_77 : i32 to index
        %parallel_loop3A_82 = tpu.vector_load %arg6[%parallel_loop3A_81] {strides = array<i32>} : memref<8192xi32, #tpu.memory_space<vmem>>, vector<16xi32>,
        tpu.vector_store %arg6[%parallel_loop3A_81], %parallel_loop3A_80 {strides = array<i32>} : memref<8192xi32, #tpu.memory_space<vmem>>, vector<16xi32>,
        %parallel_loop3A_83 = arith.xori %parallel_loop3A_59, %parallel_loop3A_72 : vector<16xi32>
        %parallel_loop3A_84 = vector.broadcast %while3A_12 : i32 to vector<16xi32>
        %parallel_loop3A_85 = arith.andi %parallel_loop3A_83, %parallel_loop3A_84 : vector<16xi32>
        %parallel_loop3A_86 = arith.constant 2048 : i32
        %parallel_loop3A_87 = arith.addi %parallel_loop3A_86, %parallel_loop3A_77 : i32
        %parallel_loop3A_88 = arith.index_cast %parallel_loop3A_87 : i32 to index
        %parallel_loop3A_89 = tpu.vector_load %arg6[%parallel_loop3A_88] {strides = array<i32>} : memref<8192xi32, #tpu.memory_space<vmem>>, vector<16xi32>,
        tpu.vector_store %arg6[%parallel_loop3A_88], %parallel_loop3A_85 {strides = array<i32>} : memref<8192xi32, #tpu.memory_space<vmem>>, vector<16xi32>,
        %parallel_loop3A_90 = arith.xori %parallel_loop3A_75, %parallel_loop3A_70 : vector<16xi32>
        %parallel_loop3A_91 = vector.broadcast %while3A_12 : i32 to vector<16xi32>
        %parallel_loop3A_92 = arith.andi %parallel_loop3A_90, %parallel_loop3A_91 : vector<16xi32>
        %parallel_loop3A_93 = arith.constant 4096 : i32
        %parallel_loop3A_94 = arith.addi %parallel_loop3A_93, %parallel_loop3A_77 : i32
        %parallel_loop3A_95 = arith.index_cast %parallel_loop3A_94 : i32 to index
        %parallel_loop3A_96 = tpu.vector_load %arg6[%parallel_loop3A_95] {strides = array<i32>} : memref<8192xi32, #tpu.memory_space<vmem>>, vector<16xi32>,
        tpu.vector_store %arg6[%parallel_loop3A_95], %parallel_loop3A_92 {strides = array<i32>} : memref<8192xi32, #tpu.memory_space<vmem>>, vector<16xi32>,
        %parallel_loop3A_97 = arith.xori %parallel_loop3A_75, %parallel_loop3A_72 : vector<16xi32>
        %parallel_loop3A_98 = vector.broadcast %while3A_12 : i32 to vector<16xi32>
        %parallel_loop3A_99 = arith.andi %parallel_loop3A_97, %parallel_loop3A_98 : vector<16xi32>
        %parallel_loop3A_100 = arith.constant 6144 : i32
        %parallel_loop3A_101 = arith.addi %parallel_loop3A_100, %parallel_loop3A_77 : i32
        %parallel_loop3A_102 = arith.index_cast %parallel_loop3A_101 : i32 to index
        %parallel_loop3A_103 = tpu.vector_load %arg6[%parallel_loop3A_102] {strides = array<i32>} : memref<8192xi32, #tpu.memory_space<vmem>>, vector<16xi32>,
        tpu.vector_store %arg6[%parallel_loop3A_102], %parallel_loop3A_99 {strides = array<i32>} : memref<8192xi32, #tpu.memory_space<vmem>>, vector<16xi32>,
        %parallel_loop3A_104 = arith.mulf %parallel_loop3A_66, %parallel_loop3A_68 : vector<16xf32>
        %parallel_loop3A_105 = arith.index_cast %parallel_loop3A_77 : i32 to index
        %parallel_loop3A_106 = tpu.vector_load %arg7[%parallel_loop3A_105] {strides = array<i32>} : memref<8192xf32, #tpu.memory_space<vmem>>, vector<16xf32>,
        tpu.vector_store %arg7[%parallel_loop3A_105], %parallel_loop3A_104 {strides = array<i32>} : memref<8192xf32, #tpu.memory_space<vmem>>, vector<16xf32>,
        %parallel_loop3A_107 = arith.mulf %parallel_loop3A_66, %parallel_loop3A_64 : vector<16xf32>
        %parallel_loop3A_108 = arith.constant 2048 : i32
        %parallel_loop3A_109 = arith.addi %parallel_loop3A_108, %parallel_loop3A_77 : i32
        %parallel_loop3A_110 = arith.index_cast %parallel_loop3A_109 : i32 to index
        %parallel_loop3A_111 = tpu.vector_load %arg7[%parallel_loop3A_110] {strides = array<i32>} : memref<8192xf32, #tpu.memory_space<vmem>>, vector<16xf32>,
        tpu.vector_store %arg7[%parallel_loop3A_110], %parallel_loop3A_107 {strides = array<i32>} : memref<8192xf32, #tpu.memory_space<vmem>>, vector<16xf32>,
        %parallel_loop3A_112 = arith.mulf %parallel_loop3A_62, %parallel_loop3A_68 : vector<16xf32>
        %parallel_loop3A_113 = arith.constant 4096 : i32
        %parallel_loop3A_114 = arith.addi %parallel_loop3A_113, %parallel_loop3A_77 : i32
        %parallel_loop3A_115 = arith.index_cast %parallel_loop3A_114 : i32 to index
        %parallel_loop3A_116 = tpu.vector_load %arg7[%parallel_loop3A_115] {strides = array<i32>} : memref<8192xf32, #tpu.memory_space<vmem>>, vector<16xf32>,
        tpu.vector_store %arg7[%parallel_loop3A_115], %parallel_loop3A_112 {strides = array<i32>} : memref<8192xf32, #tpu.memory_space<vmem>>, vector<16xf32>,
        %parallel_loop3A_117 = arith.mulf %parallel_loop3A_62, %parallel_loop3A_64 : vector<16xf32>
        %parallel_loop3A_118 = arith.constant 6144 : i32
        %parallel_loop3A_119 = arith.addi %parallel_loop3A_118, %parallel_loop3A_77 : i32
        %parallel_loop3A_120 = arith.index_cast %parallel_loop3A_119 : i32 to index
        %parallel_loop3A_121 = tpu.vector_load %arg7[%parallel_loop3A_120] {strides = array<i32>} : memref<8192xf32, #tpu.memory_space<vmem>>, vector<16xf32>,
        tpu.vector_store %arg7[%parallel_loop3A_120], %parallel_loop3A_117 {strides = array<i32>} : memref<8192xf32, #tpu.memory_space<vmem>>, vector<16xf32>,
      } {sc.loop_unroll_factor = 4 : i64, sc.parallel_access}
      %dma_start3A = arith.constant 0 : i32
      %dma_start3A_35 = arith.constant 0 : i32
      %dma_start3A_36 = tpu.memref_slice %arg3[%dma_start3A, %dma_start3A_35] : memref<2097152x4xf32, #tpu.memory_space<hbm>> -> memref<2097152x4xf32, #tpu.memory_space<hbm>>
      tpu.enqueue_indirect_dma source(%dma_start3A_36 : memref<2097152x4xf32, #tpu.memory_space<hbm>>) target(%arg8 : memref<8192x4xf32, #tpu.memory_space<vmem>>) offsets(%arg6 : memref<8192xi32, #tpu.memory_space<vmem>>) semaphore(%arg10 : memref<!tpu.dma_semaphore, #tpu.memory_space<semaphore_mem>>)
      %dma_wait3A = arith.constant 0 : i32
      %dma_wait3A_37 = arith.constant 0 : i32
      %dma_wait3A_38 = tpu.memref_slice %arg3[%dma_wait3A, %dma_wait3A_37] : memref<2097152x4xf32, #tpu.memory_space<hbm>> -> memref<2097152x4xf32, #tpu.memory_space<hbm>>
      tpu.wait_indirect_dma semaphore(%arg10 : memref<!tpu.dma_semaphore, #tpu.memory_space<semaphore_mem>>) src(%dma_wait3A_38 : memref<2097152x4xf32, #tpu.memory_space<hbm>>) dst(%arg8 : memref<8192x4xf32, #tpu.memory_space<vmem>>)
      %parallel_loop3A_39 = arith.constant 0 : i32
      %parallel_loop3A_40 = arith.constant 512 : i32
      %parallel_loop3A_41 = arith.constant 1 : i32
      scf.for %parallel_loop3A_45 = %parallel_loop3A_39 to %parallel_loop3A_40 step %parallel_loop3A_41  : i32 {
        %parallel_loop3A_46 = arith.constant 4 : i32
        %parallel_loop3A_47 = arith.muli %parallel_loop3A_45, %parallel_loop3A_46 : i32
        %parallel_loop3A_48 = arith.constant 16 : i32
        %parallel_loop3A_49 = arith.muli %parallel_loop3A_45, %parallel_loop3A_48 : i32
        %parallel_loop3A_50 = vector.broadcast %parallel_loop3A_47 : i32 to vector<16xi32>
        %parallel_loop3A_51 = arith.addi %shift_right_arithmetic3A_7, %parallel_loop3A_50 : vector<16xi32>
        %parallel_loop3A_52 = arith.constant 0 : i32
        %parallel_loop3A_53 = vector.broadcast %parallel_loop3A_52 : i32 to vector<16xi32>
        %parallel_loop3A_54 = arith.addi %parallel_loop3A_51, %parallel_loop3A_53 : vector<16xi32>
        %parallel_loop3A_55 = tpu.vector_load_idx %arg8[%parallel_loop3A_54, %and3A_9] : memref<8192x4xf32, #tpu.memory_space<vmem>>[vector<16xi32>, vector<16xi32>], vector<16xf32>,
        %parallel_loop3A_56 = arith.constant 0 : i32
        %parallel_loop3A_57 = arith.addi %parallel_loop3A_47, %parallel_loop3A_56 : i32
        %parallel_loop3A_58 = vector.broadcast %parallel_loop3A_57 : i32 to vector<16xi32>
        %parallel_loop3A_59 = arith.addi %shift_right_arithmetic3A_7, %parallel_loop3A_58 : vector<16xi32>
        %parallel_loop3A_60 = tpu.vector_load_idx %arg7[%parallel_loop3A_59] : memref<8192xf32, #tpu.memory_space<vmem>>[vector<16xi32>], vector<16xf32>,
        %parallel_loop3A_61 = arith.mulf %parallel_loop3A_55, %parallel_loop3A_60 : vector<16xf32>
        %parallel_loop3A_62 = arith.constant 2048 : i32
        %parallel_loop3A_63 = vector.broadcast %parallel_loop3A_62 : i32 to vector<16xi32>
        %parallel_loop3A_64 = arith.addi %parallel_loop3A_51, %parallel_loop3A_63 : vector<16xi32>
        %parallel_loop3A_65 = tpu.vector_load_idx %arg8[%parallel_loop3A_64, %and3A_9] : memref<8192x4xf32, #tpu.memory_space<vmem>>[vector<16xi32>, vector<16xi32>], vector<16xf32>,
        %parallel_loop3A_66 = arith.constant 2048 : i32
        %parallel_loop3A_67 = arith.addi %parallel_loop3A_47, %parallel_loop3A_66 : i32
        %parallel_loop3A_68 = vector.broadcast %parallel_loop3A_67 : i32 to vector<16xi32>
        %parallel_loop3A_69 = arith.addi %shift_right_arithmetic3A_7, %parallel_loop3A_68 : vector<16xi32>
        %parallel_loop3A_70 = tpu.vector_load_idx %arg7[%parallel_loop3A_69] : memref<8192xf32, #tpu.memory_space<vmem>>[vector<16xi32>], vector<16xf32>,
        %parallel_loop3A_71 = arith.mulf %parallel_loop3A_65, %parallel_loop3A_70 : vector<16xf32>
        %parallel_loop3A_72 = arith.addf %parallel_loop3A_61, %parallel_loop3A_71 : vector<16xf32>
        %parallel_loop3A_73 = arith.constant 4096 : i32
        %parallel_loop3A_74 = vector.broadcast %parallel_loop3A_73 : i32 to vector<16xi32>
        %parallel_loop3A_75 = arith.addi %parallel_loop3A_51, %parallel_loop3A_74 : vector<16xi32>
        %parallel_loop3A_76 = tpu.vector_load_idx %arg8[%parallel_loop3A_75, %and3A_9] : memref<8192x4xf32, #tpu.memory_space<vmem>>[vector<16xi32>, vector<16xi32>], vector<16xf32>,
        %parallel_loop3A_77 = arith.constant 4096 : i32
        %parallel_loop3A_78 = arith.addi %parallel_loop3A_47, %parallel_loop3A_77 : i32
        %parallel_loop3A_79 = vector.broadcast %parallel_loop3A_78 : i32 to vector<16xi32>
        %parallel_loop3A_80 = arith.addi %shift_right_arithmetic3A_7, %parallel_loop3A_79 : vector<16xi32>
        %parallel_loop3A_81 = tpu.vector_load_idx %arg7[%parallel_loop3A_80] : memref<8192xf32, #tpu.memory_space<vmem>>[vector<16xi32>], vector<16xf32>,
        %parallel_loop3A_82 = arith.mulf %parallel_loop3A_76, %parallel_loop3A_81 : vector<16xf32>
        %parallel_loop3A_83 = arith.addf %parallel_loop3A_72, %parallel_loop3A_82 : vector<16xf32>
        %parallel_loop3A_84 = arith.constant 6144 : i32
        %parallel_loop3A_85 = vector.broadcast %parallel_loop3A_84 : i32 to vector<16xi32>
        %parallel_loop3A_86 = arith.addi %parallel_loop3A_51, %parallel_loop3A_85 : vector<16xi32>
        %parallel_loop3A_87 = tpu.vector_load_idx %arg8[%parallel_loop3A_86, %and3A_9] : memref<8192x4xf32, #tpu.memory_space<vmem>>[vector<16xi32>, vector<16xi32>], vector<16xf32>,
        %parallel_loop3A_88 = arith.constant 6144 : i32
        %parallel_loop3A_89 = arith.addi %parallel_loop3A_47, %parallel_loop3A_88 : i32
        %parallel_loop3A_90 = vector.broadcast %parallel_loop3A_89 : i32 to vector<16xi32>
        %parallel_loop3A_91 = arith.addi %shift_right_arithmetic3A_7, %parallel_loop3A_90 : vector<16xi32>
        %parallel_loop3A_92 = tpu.vector_load_idx %arg7[%parallel_loop3A_91] : memref<8192xf32, #tpu.memory_space<vmem>>[vector<16xi32>], vector<16xf32>,
        %parallel_loop3A_93 = arith.mulf %parallel_loop3A_87, %parallel_loop3A_92 : vector<16xf32>
        %parallel_loop3A_94 = arith.addf %parallel_loop3A_83, %parallel_loop3A_93 : vector<16xf32>
        %parallel_loop3A_95 = arith.index_cast %parallel_loop3A_49 : i32 to index
        %parallel_loop3A_96 = tpu.vector_load %arg9[%parallel_loop3A_95] {strides = array<i32>} : memref<8192xf32, #tpu.memory_space<vmem>>, vector<16xf32>,
        tpu.vector_store %arg9[%parallel_loop3A_95], %parallel_loop3A_94 {strides = array<i32>} : memref<8192xf32, #tpu.memory_space<vmem>>, vector<16xf32>,
      } {sc.loop_unroll_factor = 8 : i64, sc.parallel_access}
      %mul3A_42 = arith.constant 4 : i32
      %mul3A_43 = arith.muli %add3A_30, %mul3A_42 : i32
      "tpu.region"() ({
        %run_scoped3A = tpu.sem_alloc : memref<!tpu.dma_semaphore, #tpu.memory_space<semaphore_mem>>
        %dma_start3A_45 = tpu.memref_slice %arg4[%mul3A_43] : memref<4194304xf32, #tpu.memory_space<hbm>> -> memref<8192xf32, #tpu.memory_space<hbm>>
        %dma_start3A_46 = tpu.memref_slice %arg4[%mul3A_43] : memref<4194304xf32, #tpu.memory_space<hbm>> -> memref<8192xf32, #tpu.memory_space<hbm>>
        tpu.enqueue_dma source(%arg9 : memref<8192xf32, #tpu.memory_space<vmem>>) target(%dma_start3A_46 : memref<8192xf32, #tpu.memory_space<hbm>>) target_semaphore(%run_scoped3A : memref<!tpu.dma_semaphore, #tpu.memory_space<semaphore_mem>>)
        %dma_wait3A_47 = tpu.memref_slice %arg4[%mul3A_43] : memref<4194304xf32, #tpu.memory_space<hbm>> -> memref<8192xf32, #tpu.memory_space<hbm>>
        %dma_wait3A_48 = tpu.memref_slice %arg4[%mul3A_43] : memref<4194304xf32, #tpu.memory_space<hbm>> -> memref<8192xf32, #tpu.memory_space<hbm>>
        tpu.wait_dma2 semaphore(%run_scoped3A : memref<!tpu.dma_semaphore, #tpu.memory_space<semaphore_mem>>) src(%arg9 : memref<8192xf32, #tpu.memory_space<vmem>>) dst(%dma_wait3A_48 : memref<8192xf32, #tpu.memory_space<hbm>>)
        tpu.yield
      }) : () -> ()
      %while3A_44 = arith.constant 0 : i64
      scf.yield %while3A_44 : i64
    }
    return
  }
}

</mosaic_0001>

<sc_bundles>
// kernel: kernel.3.cloned.1.call-start
scs
__scs_entry_jumppad:
0x0: {  	(pc) =	sbr.rel $0x88, $3  }
0x1: {  	(tag) =	ssettag $0x0;
	lr =	simm.s32 $0x1  }
0x2: {  	[smem:$0x3F9F] =	sst lr;
	_ =	strace $0xD0000000  }
0x3: {  	_ = 	snop  }
0x4: {  	_ = 	snop  }
0x5: {  	_ = 	snop  }
0x6: {  	_ = 	snop  }
0x7: {  	_ = 	snop  }
__scs_overlays_trampoline_lowered:
0x8: {  	[smem:$0x3FAE] =	sst s0  }
0x9: {  	[smem:$0x3FAF] =	sst s1  }
0xa: {  	[smem:$0x3FB0] =	sst s2  }
0xb: {  	[smem:$0x3FB1] =	sst s3  }
0xc: {  	[smem:$0x3FB2] =	sst s4  }
0xd: {  	[smem:$0x3FB3] =	sst s5  }
0xe: {  	[smem:$0x3FB4] =	sst s6  }
0xf: {  	[smem:$0x3FB5] =	sst s7  }
0x10: {  	[smem:$0x3FB6] =	sst s8  }
0x11: {  	[smem:$0x3FB7] =	sst s9;
	s0 =	simm.s32 @!p0 $0x0  }
0x12: {  	s1 =	sld [smem:$0x3F9D];
	s0 =	simm.s32 @p0 $0x1  }
0x13: {  	[smem:$0x3FB8] =	sst s0;
	s0 =	simm.s32 @!p1 $0x0  }
0x14: {  	s2 =	sld [smem:$0x3F9C];
	s0 =	simm.s32 @p1 $0x1  }
0x15: {  	[smem:$0x3FB9] =	sst s0;
	s0 =	simm.s32 @!p2 $0x0  }
0x16: {  	s3 =	sld [smem:$0x3FDB];
	s0 =	simm.s32 @p2 $0x1  }
0x17: {  	s4 =	simm.s32 $0x1BF5;
	[smem:$0x3FBB] =	sst s0  }
0x18: {  	s0 =	sld [smem:$0x3F9E];
	_ =	swait.ge [sflag:s4], $0x0  }
0x19: {  	s7 =	sld [smem:$0x3F9F]  }
0x1a: {  	s8 =	sadd.s32 $0xFFFFE003, lr  }
0x1b: {  	s9 =	sadd.s32 $0xFFFFFEF7, lr;
	s5 =	simm.s32 $0xFFFFFFFF;
	p2 =	slt.u32 s8, $0xFFFFF086  }
0x1c: {  	p1 =	slt.u32 s9, $0xF7A;
	s5 =	simm.s32 @!p2 $0x0  }
0x1d: {  	s5 =	simm.s32 @p1 $0x1;
	p0 =	seq.s32 s7, s2  }
0x1e: {  	s7 =	smul.u32 @!p0 $0xF7A, s2;
	p2 =	seq.s32 @!p0 s5, $0x0  }
0x1f: {  	s9 =	smul.u32 $0xF7A, s1;
	s8 =	simm.s32 @!p0 $0x1BF5;
	p2 =	por !p2, p0  }
0x20: {  	[sflag:s8] =	ssyncset.s32 @!p0 $0xFFFFF086;
	s6 =	sadd.s32 @!p0 s3, s7;
	s7 =	simm.s32 @!p0 $0x108  }
0x21: {  	s3 =	sadd.s32 s3, s9;
	s6 =	sadd.s32 @!p0 $0x88, s6;
	s7 =	simm.s32 @p2 $0x1082  }
0x22: {  	[simem:s7], [sflag:s8] =	dma.local @!p0 [hbm:s6], $0xF7A  }
0x23: {  	s9 =	sor.u32 $0xD0000000, s2;
	s6 =	simm.s32 $0x108;
	_ =	swait.ge @!p0 [sflag:s8], $0x0  }
0x24: {  	s3 =	sadd.s32 $0x88, s3;
	s6 =	simm.s32 @!p1 $0x1082;
	[sflag:s4] =	ssyncset.s32 $0xFFFFF086  }
0x25: {  	[simem:s6], [sflag:s4] =	dma.local [hbm:s3], $0xF7A  }
0x26: {  	[smem:$0x3F9F] =	sst s1;
	(tag) =	ssettag s2;
	_ =	strace s9  }
0x27: {  	s1 =	sld [smem:$0x3FAF]  }
0x28: {  	s2 =	sld [smem:$0x3FB0]  }
0x29: {  	s4 =	sld [smem:$0x3FB2]  }
0x2a: {  	p0 =	seq.s32 s5, $0x0;
	s5 =	sld [smem:$0x3FB3]  }
0x2b: {  	s6 =	sld [smem:$0x3FB4]  }
0x2c: {  	s7 =	sld [smem:$0x3FB5]  }
0x2d: {  	s3 =	simm.s32 $0x108;
	s8 =	sld [smem:$0x3FB6]  }
0x2e: {  	s3 =	simm.s32 @!p0 $0x1082;
	s9 =	sld [smem:$0x3FB7]  }
0x2f: {  	lr =	sadd.s32 s0, s3;
	s0 =	sld [smem:$0x3FAE]  }
0x30: {  	s3 =	sld [smem:$0x3FB1]  }
0x31: {  	[smem:$0x3FBA] =	sst s10  }
0x32: {  	s10 =	sld [smem:$0x3FB8];
	_ =	sdelay $0x3  }
0x33: {  	p0 =	seq.s32 s10, $0x1;
	s10 =	sld [smem:$0x3FBA];
	_ =	sdelay $0x3  }
0x34: {  	[smem:$0x3FBA] =	sst s10  }
0x35: {  	s10 =	sld [smem:$0x3FB9];
	_ =	sdelay $0x3  }
0x36: {  	p1 =	seq.s32 s10, $0x1;
	s10 =	sld [smem:$0x3FBA];
	_ =	sdelay $0x3  }
0x37: {  	[smem:$0x3FBA] =	sst s10  }
0x38: {  	s10 =	sld [smem:$0x3FBB]  }
0x39: {  	_ = 	snop;
	(pc) =	sbr.ind lr, $3  }
0x3a: {  	_ = 	snop  }
0x3b: {  	_ = 	snop  }
0x3c: {  	p2 =	seq.s32 s10, $0x1;
	s10 =	sld [smem:$0x3FBA]  }
0x3d: {  	_ =	shalt  }
0x3e: {  	_ =	shalt  }
0x3f: {  	_ =	shalt  }
0x40: {  	_ =	shalt  }
0x41: {  	_ =	shalt  }
0x42: {  	_ =	shalt  }
0x43: {  	_ =	shalt  }
0x44: {  	_ =	shalt  }
0x45: {  	_ =	shalt  }
0x46: {  	_ =	shalt  }
0x47: {  	_ =	shalt  }
0x48: {  	_ =	shalt  }
0x49: {  	_ =	shalt  }
0x4a: {  	_ =	shalt  }
0x4b: {  	_ =	shalt  }
0x4c: {  	_ =	shalt  }
0x4d: {  	_ =	shalt  }
0x4e: {  	_ =	shalt  }
0x4f: {  	_ =	shalt  }
0x50: {  	_ =	shalt  }
0x51: {  	_ =	shalt  }
0x52: {  	_ =	shalt  }
0x53: {  	_ =	shalt  }
0x54: {  	_ =	shalt  }
0x55: {  	_ =	shalt  }
0x56: {  	_ =	shalt  }
0x57: {  	_ =	shalt  }
0x58: {  	_ =	shalt  }
0x59: {  	_ =	shalt  }
0x5a: {  	_ =	shalt  }
0x5b: {  	_ =	shalt  }
0x5c: {  	_ =	shalt  }
0x5d: {  	_ =	shalt  }
0x5e: {  	_ =	shalt  }
0x5f: {  	_ =	shalt  }
0x60: {  	_ =	shalt  }
0x61: {  	_ =	shalt  }
0x62: {  	_ =	shalt  }
0x63: {  	_ =	shalt  }
0x64: {  	_ =	shalt  }
0x65: {  	_ =	shalt  }
0x66: {  	_ =	shalt  }
0x67: {  	_ =	shalt  }
0x68: {  	_ =	shalt  }
0x69: {  	_ =	shalt  }
0x6a: {  	_ =	shalt  }
0x6b: {  	_ =	shalt  }
0x6c: {  	_ =	shalt  }
0x6d: {  	_ =	shalt  }
0x6e: {  	_ =	shalt  }
0x6f: {  	_ =	shalt  }
0x70: {  	_ =	shalt  }
0x71: {  	_ =	shalt  }
0x72: {  	_ =	shalt  }
0x73: {  	_ =	shalt  }
0x74: {  	_ =	shalt  }
0x75: {  	_ =	shalt  }
0x76: {  	_ =	shalt  }
0x77: {  	_ =	shalt  }
0x78: {  	_ =	shalt  }
0x79: {  	_ =	shalt  }
0x7a: {  	_ =	shalt  }
0x7b: {  	_ =	shalt  }
0x7c: {  	_ =	shalt  }
0x7d: {  	_ =	shalt  }
0x7e: {  	_ =	shalt  }
0x7f: {  	_ =	shalt  }
0x80: {  	_ =	shalt  }
0x81: {  	_ =	shalt  }
0x82: {  	_ =	shalt  }
0x83: {  	_ =	shalt  }
0x84: {  	_ =	shalt  }
0x85: {  	_ =	shalt  }
0x86: {  	_ =	shalt  }
0x87: {  	_ =	shalt  }
.Lfunc_end0:
.L_simem_size_0:
called_computation_lowered:
.L_overlay_start_0:
0x88: {  	s2 =	sld [smem:$0x3FD9]  }
0x89: {  	s3 =	sld [smem:$0x3FFE];
	_ =	sdelay $0x1  }
0x8a: {  	s1 =	srdreg.scid  }
0x8b: {  	s0 =	sand.u32 $0x1, s1  }
0x8c: {  	s17 =	sshll.u32 s0, $0xA;
	s2 =	sadd.s32 s3, s2  }
0x8d: {  	s2 =	sadd.s32 s2, s17  }
0x8e: {  	[smem:$0x3FC6] =	sst s2  }
0x8f: {  	_ = 	snop  }
0x90: {  	s2 =	sld [smem:$0x3FD0];
	(tm) =	ssettm $0x1  }
0x91: {  	s18 =	sld [smem:$0x3FFB];
	_ =	sdelay $0x3  }
0x92: {  	_ =	strace s18  }
0x93: {  	s3 =	sld [smem:$0x3FFC];
	_ =	sdelay $0x3  }
0x94: {  	_ =	strace s3  }
0x95: {  	s3 =	sld [smem:$0x3FFD];
	_ =	sdelay $0x3  }
0x96: {  	_ =	strace s3  }
0x97: {  	_ =	strace $0x8FFFFFFF  }
0x98: {  	s19 =	sld [smem:$0x3FDB];
	_ =	sdelay $0x1  }
0x99: {  	s4 =	simm.s32 $_scs_section_size  }
0x9a: {  	s5 =	simm.s32 $_size__tile_overlayer_lowered;
	s6 =	simm.s32 $_tile_overlayer_lowered  }
0x9b: {  	s22 =	simm.s32 $0x1BFF;
	s21 =	sshll.u32 s6, $0x1;
	s3 =	sadd.s32 s4, s19  }
0x9c: {  	s7 =	simm.s32 $0x0;
	s20 =	sshll.u32 s5, $0x1;
	s5 =	sadd.s32 s21, s3  }
0x9d: {  	[timem:s7], [sflag:s22] =	dma.local [hbm:s5], s20  }
0x9e: {  	_ =	swait.ge [sflag:s22], s20  }
0x9f: {  	s4 =	ssub.s32 $0x0, s20;
	[sflag:s22] =	ssyncset.done $0x0  }
0xa0: {  	[sflag:s22] =	ssyncadd.s32 s4;
	_ =	sdelay $0x1  }
0xa1: {  	s23 =	simm.s32 $0x1B8B  }
0xa2: {  	_ =	swait.ge [sflag:s23], $0x1  }
0xa3: {  	[sflag:s23] =	ssyncset.done $0x0  }
0xa4: {  	s25 =	simm.s32 $0x1B8E;
	s24 =	sld [smem:$0x3FFE];
	[sflag:s23] =	ssyncadd.s32 $0xFFFFFFFF  }
0xa5: {  	s26 =	simm.s32 $execute0_lowered;
	[smem:$0x3FD2] =	sst s25  }
0xa6: {  	s5 =	sshll.u32 s26, $0x1;
	_ =	strace $0x80000046;
	[dreg:$0x1] =	wrdreg $0xFFFFFFFF  }
0xa7: {  	s28 =	simm.s32 $_size_execute0_lowered;
	s3 =	sadd.s32 s3, s5;
	[dreg:$0x0] =	wrdreg $0x0  }
0xa8: {  	s5 =	sshll.u32 s28, $0x1;
	[dreg:$0x2] =	wrdreg s3  }
0xa9: {  	[dreg:$0x3] =	wrdreg s5  }
0xaa: {  	[dreg:$0x4] =	wrdreg $0xC0  }
0xab: {  	_ =	task [dreg:s7], $0x5FFFF  }
0xac: {  	[dreg:$0x1] =	wrdreg $0xFFFFFFFF  }
0xad: {  	[dreg:$0x0] =	wrdreg $0x60  }
0xae: {  	[dreg:$0x2] =	wrdreg s24  }
0xaf: {  	[dreg:$0x3] =	wrdreg s2  }
0xb0: {  	[dreg:$0x4] =	wrdreg $0x9  }
0xb1: {  	_ =	task.clear_ibuf [dreg:s7], $0x5FFFF;
	_ =	strace $0x90000046  }
0xb2: {  	s29 =	simm.s32 $0x9;
	_ =	strace $0x80000048  }
0xb3: {  	_ =	swait.ge [sflag:s29], $0x1  }
0xb4: {  	[sflag:s29] =	ssyncadd.s32 $0xFFFFFFFF  }
0xb5: {  	_ =	strace $0x90000048  }
0xb6: {  	_ =	sfence  }
0xb7: {  	s30 =	sld [smem:$0x0];
	_ =	sdelay $0x2  }
0xb8: {  	s31 =	sshll.u32 s1, $0xD;
	s1 =	sshrl.u32 s1, $0x2  }
0xb9: {  	s3 =	sand.u32 $0x4000, s31;
	s1 =	sadd.s32 s1, s30  }
0xba: {  	s0 =	sor.u32 s3, s0;
	s1 =	sshll.u32 s1, $0x11  }
0xbb: {  	s0 =	sor.u32 s1, s0  }
0xbc: {  	s0 =	sadd.s32 $0x8F2B, s0  }
0xbd: {  	[sflag:s0] =	ssyncadd.remote.s32 $0x1  }
0xbe: {  	_ =	sfence.sel $0xFFFF  }
0xbf: {  	[dreg:$0x0] =	wrdreg $0xFFFFFFFF;
	(pc) =	sbr.abs _section_cstart, $3  }
0xc0: {  	[dreg:$0x1] =	wrdreg $0xFFFFFFFF  }
0xc1: {  	_ =	task.clear_ibuf [dreg:s7], $0x2FFFF;
	_ =	strace $0x9FFFFFFF  }
0xc2: {  	(tm) =	ssettm $0x7FFFFFFF  }
0xc3: {  	_ =	shalt  }
tec
execute0_lowered:
.L_overlay_start_1:
0x0: {  	(tag) =	ssettag $0x1  }
0x1: {  	v2 =	vlaneseq.u32  }
0x2: {  	s5 =	simm.s32 $0x0;
	v1 =	vmul.u32 $0x2, v2  }
0x3: {  	[smem:$0x7FF] =	sst s5;
	v0 =	vand.u32 $0x3, v2;
	v2 =	vshrl.u32 v2, $0x2  }
0x4: {  	s0 =	rddreg [dreg:$0x0];
	_ =	strace $0x80000047;
	v3 =	vmul.u32 $0x2, v0;
	v12 =	vor.u32 $0x4, v2;
	[tilespmem:$0x1FF50] =	vst v1  }
0x5: {  	v7 =	vor.u32 $0x1, v1;
	[tilespmem:$0x1FFF0] =	vst v12  }
0x6: {  	v4 =	vor.u32 $0xFFFFFF98, v3;
	[tilespmem:$0x1FF70] =	vst v7  }
0x7: {  	v8 =	vor.u32 $0xFFFFFFB8, v3;
	[tilespmem:$0x1FF60] =	vst v4  }
0x8: {  	s1 =	srdreg.scid;
	s4 =	stileid.u32;
	v5 =	vmul.u32 $0x8, v2;
	v9 =	vor.u32 $0xFFFFFFD8, v3;
	[tilespmem:$0x1FF80] =	vst v8  }
0x9: {  	s11 =	simm.s32 $0x5000;
	s1 =	sand.u32 $0x1, s1;
	s2 =	sadd.s32 $0x1200600, s0;
	v10 =	vor.u32 $0xFFFFFFF8, v3;
	[tilespmem:$0x1FF90] =	vst v9  }
0xa: {  	s4 =	sshll.u32 s4, $0x11;
	s0 =	sadd.s32 $0x600, s0;
	s30 =	ssub.s32 $0x2, s1;
	v63 =	vor.u32 $0xC000, v5;
	[tilespmem:$0x1FFA0] =	vst v10  }
0xb: {  	[dreg:$0x3] =	wrdreg s2;
	s1 =	sshll.u32 s1, $0x10;
	s3 =	sshrl.u32 s30, $0x1;
	v47 =	vor.u32 $0x8000, v5;
	[tilespmem:$0x1FFB0] =	vst v63  }
0xc: {  	vm0 =	vcmask $0x300;
	[dreg:$0x4] =	wrdreg s0;
	s1 =	sor.u32 s1, s4;
	s31 =	ssub.s32 s30, s3;
	v3 =	vimm.s32 $0x0;
	v46 =	vor.u32 $0x4000, v5;
	[tilespmem:$0x1FFC0] =	vst v47  }
0xd: {  	s13 =	simm.s32 $0x3000;
	[dreg:$0x5] =	wrdreg s1;
	s0 =	smax.u32 s31, $0x1;
	v48 =	vsel vm0, $0x3, v3;
	[tilespmem:$0x1FFD0] =	vst v46  }
0xe: {  	s4 =	simm.s32 $0x2;
	s1 =	simm.s32 $0x0;
	[dreg:$0x6] =	wrdreg s0;
	[tilespmem:$0x1FFE0] =	vst v48  }
.LBB2_1:
0xf: {  	[dreg:$0x7] =	wrdreg s1;
	s0 =	simm.s32 $0x0  }
.LBB2_2:
0x10: {  	[dreg:$0x8] =	wrdreg s0  }
0x11: {  	s28 =	sshll.u32 s0, $0xB;
	s1 =	rddreg [dreg:$0x5]  }
0x12: {  	s29 =	simm.s32 $0x20;
	s3 =	rddreg [dreg:$0x3];
	s0 =	sadd.s32 s1, s28  }
0x13: {  	s2 =	simm.s32 $0x40;
	[dreg:$0x9] =	wrdreg s0;
	s0 =	sshrl.u32 s0, $0x2  }
0x14: {  	s30 =	simm.s32 $0x0;
	v3 =	vor.u32 s2, v1;
	v5 =	vor.u32 s29, v7;
	s0 =	sadd.s32 s3, s0  }
0x15: {  	v6 =	vor.u32 s29, v1;
	v3 =	vand.u32 v9, v3;
	[tilespmem:s30], [sflag:$0x2] =	stream.linear.gather [hbm4b:s0+s30], $0x1000, $0x38;
	[tilespmem:$0x17000] =	vst v63  }
0x16: {  	s31 =	simm.s32 $0x60;
	v6 =	vand.u32 v8, v6;
	_ =	swait.ge [sflag:s4], $0x1000  }
0x17: {  	v13 =	vor.u32 s31, v7;
	[sflag:s4] =	ssyncset.done $0x0  }
0x18: {  	v14 =	vor.u32 s2, v7;
	[sflag:s4] =	ssyncadd.s32 $0xFFFFF000  }
0x19: {  	v5 =	vld.idx.msk [tilespmem:v5+s5+$0x0], $0xffff  }
0x1a: {  	v3 =	vld.idx.msk [tilespmem:v3+s5+$0x0], $0xffff  }
0x1b: {  	v6 =	vld.idx.msk [tilespmem:v6+s5+$0x0], $0xffff  }
0x1c: {  	v15 =	vor.u32 s31, v1;
	v13 =	vld.idx.msk [tilespmem:v13+s5+$0x0], $0xffff  }
0x1d: {  	v16 =	vand.u32 v10, v15;
	v14 =	vld.idx.msk [tilespmem:v14+s5+$0x0], $0xffff  }
0x1e: {  	v17 =	vor.u32 s30, v7  }
0x1f: {  	v15 =	vor.u32 s30, v1  }
0x20: {  	v18 =	vand.u32 v4, v15;
	v5 =	vmul.f32 $2.048000000e+03, v5  }
0x21: {  	v15 =	vmul.f32 $2.048000000e+03, v6;
	v6 =	vmul.f32 $2.048000000e+03, v13  }
0x22: {  	v24 =	vmul.f32 $2.048000000e+03, v3;
	v27 =	vmul.f32 $2.048000000e+03, v14;
	v3 =	vld.idx.msk [tilespmem:v16+s5+$0x0], $0xffff  }
0x23: {  	v16 =	vld.idx.msk [tilespmem:v17+s5+$0x0], $0xffff;
	v13 =	vtrunc.f32 v15;
	v14 =	vtrunc.f32 v6  }
0x24: {  	v17 =	vtrunc.f32 v27;
	v14 =	vcvt.f32.s32 v14  }
0x25: {  	v19 =	vld.idx.msk [tilespmem:v18+s5+$0x0], $0xffff;
	v18 =	vcvt.f32.s32 v13;
	v13 =	vtrunc.f32 v5  }
0x26: {  	v21 =	vcvt.f32.s32 v13;
	v20 =	vcvt.s32.f32 v14  }
0x27: {  	v14 =	vmul.u32 $0x9E3779B1, v14;
	v22 =	vmul.f32 $2.048000000e+03, v3;
	v3 =	vcvt.f32.s32 v17  }
0x28: {  	v16 =	vmul.f32 $2.048000000e+03, v16;
	v25 =	vadd.s32 $0x1, v18;
	v32 =	vcvt.s32.f32 v18  }
0x29: {  	v29 =	vmul.u32 $0x9E3779B1, v21;
	v26 =	vsub.f32 v6, v20;
	v6 =	vcvt.s32.f32 v21  }
0x2a: {  	v13 =	vadd.s32 $0x9E3779B1, v14;
	v20 =	vtrunc.f32 v24;
	v21 =	vmul.f32 $2.048000000e+03, v19  }
0x2b: {  	v17 =	vtrunc.f32 v22;
	v23 =	vtrunc.f32 v16;
	v35 =	vmul.u32 $0x9E3779B1, v3  }
0x2c: {  	v17 =	vcvt.f32.s32 v17;
	v37 =	vcvt.f32.s32 v23;
	v28 =	vxor.u32 v25, v29  }
0x2d: {  	v19 =	vsub.f32 v5, v6;
	v5 =	vxor.u32 v18, v29;
	v6 =	vtrunc.f32 v21  }
0x2e: {  	v36 =	vsub.f32 $1.000000000e+00, v26;
	v31 =	vcvt.f32.s32 v6;
	v6 =	vand.u32 $0x1FFFFF, v5  }
0x2f: {  	v33 =	vcvt.s32.f32 v17;
	v39 =	vmul.u32 $0x9E3779B1, v37;
	v34 =	vadd.s32 $0x1, v17  }
0x30: {  	v40 =	vcvt.s32.f32 v37;
	v30 =	vsub.f32 $1.000000000e+00, v19;
	v5 =	vcvt.s32.f32 v31  }
0x31: {  	v38 =	vadd.s32 $0x1, v31;
	v33 =	vsub.f32 v22, v33;
	v41 =	vxor.u32 v31, v39  }
0x32: {  	v37 =	vxor.u32 v38, v39;
	v23 =	vsub.f32 v21, v5;
	v5 =	vxor.u32 v34, v14  }
0x33: {  	v21 =	vadd.s32 $0x9E3779B1, v39;
	v42 =	vsub.f32 $1.000000000e+00, v33;
	v39 =	vand.u32 $0x1FFFFF, v41  }
0x34: {  	v61 =	vxor.u32 v31, v21;
	v38 =	vxor.u32 v38, v21;
	v21 =	vmul.f32 v36, v33  }
0x35: {  	s19 =	simm.s32 $0x2000;
	s18 =	simm.s32 $0x4000;
	s20 =	simm.s32 $0x0;
	v31 =	vsub.f32 v16, v40;
	v62 =	vand.u32 $0x1FFFFF, v61;
	v16 =	vmul.f32 v36, v42  }
0x36: {  	s21 =	simm.s32 $0x80;
	s22 =	simm.s32 $0x2040;
	s23 =	simm.s32 $0x4040;
	v22 =	vsub.f32 $1.000000000e+00, v23;
	v36 =	vcvt.f32.s32 v20;
	v20 =	vmul.f32 v26, v42;
	[tilespmem:s19+$0xFFFFF800] =	vst v62  }
.LBB2_3:
0x37: {  	s0 =	sadd.s32 $0x20, s21;
	s1 =	sadd.s32 $0x40, s21;
	s2 =	sadd.s32 $0x60, s21;
	[tilespmem:s19+$0xFFFFF000] =	vst v39;
	v37 =	vand.u32 $0x1FFFFF, v37;
	v38 =	vand.u32 $0x1FFFFF, v38;
	v3 =	vcvt.s32.f32 v3  }
0x38: {  	s20 =	sadd.s32 $0x4, s20;
	v39 =	vor.u32 s0, v1;
	v40 =	vor.u32 s1, v1;
	[tilespmem:s19+$0x0] =	vst v37;
	v37 =	vadd.s32 $0x1, v36  }
0x39: {  	v41 =	vor.u32 s0, v7;
	v42 =	vor.u32 s2, v7;
	p0 =	slt.u32 s20, $0x7C;
	v39 =	vand.u32 v8, v39;
	[tilespmem:s19+$0x800] =	vst v38  }
0x3a: {  	v43 =	vor.u32 s2, v1;
	v38 =	vand.u32 v9, v40;
	v40 =	vor.u32 s1, v7  }
0x3b: {  	v44 =	vcvt.s32.f32 v36;
	v3 =	vsub.f32 v27, v3;
	v27 =	vadd.s32 $0x9E3779B1, v35  }
0x3c: {  	v45 =	vxor.u32 v36, v35;
	v36 =	vxor.u32 v36, v27;
	v27 =	vxor.u32 v37, v27  }
0x3d: {  	v27 =	vand.u32 $0x1FFFFF, v27;
	[tilespmem:s19+$0xFFFFF010] =	vst v6;
	v6 =	vsub.f32 v24, v44;
	v24 =	vand.u32 $0x1FFFFF, v36  }
0x3e: {  	v33 =	vmul.f32 v26, v33;
	v36 =	vld.idx.msk [tilespmem:v41+s5+$0x0], $0xffff;
	v41 =	vand.u32 $0x1FFFFF, v45;
	[tilespmem:s19+$0xFFFFF820] =	vst v24;
	v24 =	vxor.u32 v37, v35  }
0x3f: {  	v37 =	vsub.f32 $1.000000000e+00, v3;
	v26 =	vld.idx.msk [tilespmem:v38+s5+$0x0], $0xffff;
	v35 =	vsub.f32 $1.000000000e+00, v6;
	v24 =	vand.u32 $0x1FFFFF, v24;
	[tilespmem:s19+$0x820] =	vst v27  }
0x40: {  	v5 =	vand.u32 $0x1FFFFF, v5;
	v34 =	vxor.u32 v34, v13;
	v38 =	vmul.f32 v3, v6;
	v27 =	vld.idx.msk [tilespmem:v39+s5+$0x0], $0xffff;
	[tilespmem:s19+$0xFFFFF020] =	vst v41  }
0x41: {  	v6 =	vmul.f32 v37, v6;
	v39 =	vld.idx.msk [tilespmem:v40+s5+$0x0], $0xffff;
	v40 =	vmul.f32 v37, v35;
	[tilespmem:s19+$0x30] =	vst v5;
	v5 =	vand.u32 $0x1FFFFF, v34  }
0x42: {  	v15 =	vsub.f32 v15, v32;
	v29 =	vadd.s32 $0x9E3779B1, v29;
	v3 =	vmul.f32 v3, v35;
	v34 =	vld.idx.msk [tilespmem:v42+s5+$0x0], $0xffff;
	[tilespmem:s19+$0x20] =	vst v24  }
0x43: {  	v18 =	vxor.u32 v18, v29;
	v32 =	vand.u32 v10, v43;
	v35 =	vmul.f32 v31, v22;
	[tilespmem:s18+$0xFFFFF020] =	vst v40  }
0x44: {  	v41 =	vmul.f32 v30, v15;
	v37 =	vmul.f32 v31, v23;
	v40 =	vsub.f32 $1.000000000e+00, v15;
	[tilespmem:s18+$0xFFFFF820] =	vst v3  }
0x45: {  	v42 =	vmul.f32 v19, v15;
	v36 =	vmul.f32 $2.048000000e+03, v36;
	v3 =	vor.u32 s21, v7;
	[tilespmem:s18+$0x20] =	vst v6  }
0x46: {  	v24 =	vmul.f32 $2.048000000e+03, v26;
	v6 =	vor.u32 s21, v1;
	v15 =	vmul.f32 $2.048000000e+03, v27;
	[tilespmem:s18+$0x820] =	vst v38  }
0x47: {  	v26 =	vmul.f32 v30, v40;
	v6 =	vand.u32 v4, v6;
	v27 =	vmul.f32 $2.048000000e+03, v39;
	[tilespmem:s18+$0x800] =	vst v37  }
0x48: {  	v28 =	vand.u32 $0x1FFFFF, v28;
	v19 =	vmul.f32 v19, v40;
	v30 =	vld.idx.msk [tilespmem:v32+s5+$0x0], $0xffff;
	v32 =	vmul.f32 $2.048000000e+03, v34;
	[tilespmem:s18+$0xFFFFF800] =	vst v35  }
0x49: {  	v25 =	vxor.u32 v25, v29;
	v34 =	vtrunc.f32 v15;
	v35 =	vtrunc.f32 v27;
	[tilespmem:s19+$0x830] =	vst v5  }
0x4a: {  	v29 =	vsub.f32 $1.000000000e+00, v31;
	v25 =	vand.u32 $0x1FFFFF, v25;
	v5 =	vld.idx.msk [tilespmem:v3+s5+$0x0], $0xffff;
	v3 =	vtrunc.f32 v32;
	[tilespmem:s19+$0x10] =	vst v28  }
0x4b: {  	v14 =	vxor.u32 v17, v14;
	v28 =	vand.u32 $0x1FFFFF, v18;
	v3 =	vcvt.f32.s32 v3;
	[tilespmem:s19+$0x810] =	vst v25  }
0x4c: {  	v18 =	vcvt.f32.s32 v34;
	v25 =	vtrunc.f32 v36;
	v6 =	vld.idx.msk [tilespmem:v6+s5+$0x0], $0xffff;
	[tilespmem:s19+$0xFFFFF810] =	vst v28;
	v28 =	vand.u32 $0x1FFFFF, v14  }
0x4d: {  	v23 =	vmul.f32 v29, v23;
	v31 =	vcvt.s32.f32 v3;
	v14 =	vmul.u32 $0x9E3779B1, v3;
	[tilespmem:s18+$0xFFFFF010] =	vst v26  }
0x4e: {  	v17 =	vxor.u32 v17, v13;
	v25 =	vcvt.f32.s32 v25;
	v37 =	vmul.f32 $2.048000000e+03, v30;
	[tilespmem:s19+$0xFFFFF030] =	vst v28  }
0x4f: {  	v17 =	vand.u32 $0x1FFFFF, v17;
	v3 =	vcvt.f32.s32 v35;
	v13 =	vadd.s32 $0x9E3779B1, v14;
	[tilespmem:s18+$0xFFFFF810] =	vst v19  }
0x50: {  	v39 =	vmul.f32 $2.048000000e+03, v5;
	v26 =	vsub.f32 v32, v31;
	v5 =	vmul.f32 v29, v22;
	[tilespmem:s19+$0xFFFFF830] =	vst v17;
	s19 =	smov.u32 s22  }
0x51: {  	v40 =	vtrunc.f32 v24;
	v29 =	vmul.u32 $0x9E3779B1, v25;
	v17 =	vcvt.s32.f32 v25;
	[tilespmem:s18+$0x10] =	vst v41  }
0x52: {  	v22 =	vmul.f32 $2.048000000e+03, v6;
	v6 =	vtrunc.f32 v37;
	v41 =	vsub.f32 $1.000000000e+00, v26;
	[tilespmem:s18+$0x830] =	vst v33  }
0x53: {  	v28 =	vtrunc.f32 v39;
	v30 =	vxor.u32 v18, v29;
	v19 =	vsub.f32 v36, v17;
	[tilespmem:s18+$0x30] =	vst v21  }
0x54: {  	v25 =	vadd.s32 $0x1, v18;
	v17 =	vcvt.f32.s32 v6;
	v21 =	vtrunc.f32 v22;
	[tilespmem:s18+$0x0] =	vst v23  }
0x55: {  	v31 =	vcvt.f32.s32 v28;
	v28 =	vxor.u32 v25, v29;
	v21 =	vcvt.f32.s32 v21;
	[tilespmem:s18+$0x810] =	vst v42  }
0x56: {  	v32 =	vcvt.s32.f32 v18;
	v35 =	vmul.u32 $0x9E3779B1, v3;
	v6 =	vand.u32 $0x1FFFFF, v30;
	[tilespmem:s18+$0xFFFFF830] =	vst v20  }
0x57: {  	v33 =	vcvt.s32.f32 v17;
	v20 =	vcvt.s32.f32 v21;
	v36 =	vadd.s32 $0x1, v21;
	[tilespmem:s18+$0xFFFFF000] =	vst v5  }
0x58: {  	v38 =	vmul.u32 $0x9E3779B1, v31;
	v30 =	vsub.f32 $1.000000000e+00, v19;
	v34 =	vadd.s32 $0x1, v17;
	[tilespmem:s18+$0xFFFFF030] =	vst v16;
	s18 =	smov.u32 s23  }
0x59: {  	v33 =	vsub.f32 v37, v33;
	v5 =	vxor.u32 v34, v14;
	v23 =	vsub.f32 v22, v20  }
.Ltmp0:
0x5a: {  	v42 =	vxor.u32 v21, v38;
	v16 =	vcvt.s32.f32 v31;
	v20 =	vadd.s32 $0x9E3779B1, v38;
	(pc) =	sbr.rel @p0 .LBB2_3-.Ltmp0, $4  }
0x5b: {  	v37 =	vxor.u32 v36, v38;
	v43 =	vsub.f32 $1.000000000e+00, v33;
	v22 =	vsub.f32 $1.000000000e+00, v23  }
0x5c: {  	v44 =	vxor.u32 v21, v20;
	v38 =	vxor.u32 v36, v20;
	v21 =	vmul.f32 v41, v33  }
0x5d: {  	v31 =	vsub.f32 v39, v16;
	v20 =	vand.u32 $0x1FFFFF, v44;
	v16 =	vmul.f32 v41, v43  }
0x5e: {  	s21 =	sadd.s32 $0x80, s21;
	s22 =	sadd.s32 $0x40, s22;
	s23 =	sadd.s32 $0x40, s23;
	v36 =	vcvt.f32.s32 v40;
	v39 =	vand.u32 $0x1FFFFF, v42;
	[tilespmem:s19+$0xFFFFF800] =	vst v20;
	v20 =	vmul.f32 v26, v43  }
0x5f: {  	[tilespmem:s19+$0xFFFFF000] =	vst v39  }
0x60: {  	v37 =	vand.u32 $0x1FFFFF, v37;
	v3 =	vcvt.s32.f32 v3;
	v38 =	vand.u32 $0x1FFFFF, v38;
	[tilespmem:s19+$0xFFFFF010] =	vst v6  }
0x61: {  	v62 =	vadd.s32 $0x9E3779B1, v35;
	v5 =	vand.u32 $0x1FFFFF, v5;
	[tilespmem:s19+$0x0] =	vst v37;
	v61 =	vcvt.s32.f32 v36  }
0x62: {  	v40 =	vadd.s32 $0x1, v36;
	[tilespmem:s19+$0x800] =	vst v38;
	v3 =	vsub.f32 v27, v3;
	v27 =	vxor.u32 v36, v62  }
0x63: {  	[tilespmem:s19+$0x30] =	vst v5;
	v6 =	vsub.f32 v24, v61;
	v24 =	vand.u32 $0x1FFFFF, v27;
	v27 =	vxor.u32 v36, v35  }
0x64: {  	v49 =	vxor.u32 v40, v35;
	[tilespmem:s19+$0xFFFFF820] =	vst v24;
	v24 =	vand.u32 $0x1FFFFF, v27;
	v45 =	vsub.f32 $1.000000000e+00, v3  }
0x65: {  	v43 =	vxor.u32 v40, v62;
	v27 =	vsub.f32 $1.000000000e+00, v6;
	[tilespmem:s19+$0xFFFFF020] =	vst v24;
	v24 =	vand.u32 $0x1FFFFF, v49  }
0x66: {  	v44 =	vand.u32 $0x1FFFFF, v43;
	[tilespmem:s19+$0x20] =	vst v24;
	v24 =	vmul.f32 v45, v6  }
0x67: {  	[tilespmem:s19+$0x820] =	vst v44;
	v50 =	vmul.f32 v45, v27  }
0x68: {  	v5 =	vmul.f32 v3, v27;
	[tilespmem:s18+$0x20] =	vst v24  }
0x69: {  	v3 =	vmul.f32 v3, v6;
	[tilespmem:s18+$0xFFFFF020] =	vst v50  }
0x6a: {  	v6 =	vmul.f32 v31, v22;
	[tilespmem:s18+$0xFFFFF820] =	vst v5  }
0x6b: {  	v5 =	vmul.f32 v31, v23;
	[tilespmem:s18+$0x820] =	vst v3  }
0x6c: {  	v15 =	vsub.f32 v15, v32;
	[tilespmem:s18+$0xFFFFF800] =	vst v6  }
0x6d: {  	v24 =	vand.u32 $0x1FFFFF, v28;
	v3 =	vxor.u32 v34, v13;
	[tilespmem:s18+$0x800] =	vst v5;
	v5 =	vadd.s32 $0x9E3779B1, v29  }
0x6e: {  	v6 =	vsub.f32 $1.000000000e+00, v15;
	[tilespmem:s19+$0x10] =	vst v24;
	v3 =	vand.u32 $0x1FFFFF, v3;
	v25 =	vxor.u32 v25, v5  }
0x6f: {  	[tilespmem:s19+$0x830] =	vst v3;
	v3 =	vxor.u32 v18, v5;
	v5 =	vand.u32 $0x1FFFFF, v25  }
0x70: {  	v18 =	vmul.f32 v30, v6;
	v3 =	vand.u32 $0x1FFFFF, v3;
	[tilespmem:s19+$0x810] =	vst v5  }
0x71: {  	v5 =	vxor.u32 v17, v14;
	[tilespmem:s19+$0xFFFFF810] =	vst v3  }
0x72: {  	v3 =	vmul.f32 v19, v6;
	v5 =	vand.u32 $0x1FFFFF, v5;
	[tilespmem:s18+$0xFFFFF010] =	vst v18  }
0x73: {  	v6 =	vmul.f32 v30, v15;
	[tilespmem:s19+$0xFFFFF030] =	vst v5  }
0x74: {  	v5 =	vxor.u32 v17, v13;
	[tilespmem:s18+$0xFFFFF810] =	vst v3  }
0x75: {  	[tilespmem:s18+$0x10] =	vst v6;
	v3 =	vand.u32 $0x1FFFFF, v5;
	v5 =	vmul.f32 v26, v33  }
0x76: {  	[tilespmem:s19+$0xFFFFF830] =	vst v3  }
0x77: {  	v13 =	vsub.f32 $1.000000000e+00, v31;
	[tilespmem:s18+$0x830] =	vst v5  }
0x78: {  	[tilespmem:s18+$0x30] =	vst v21  }
0x79: {  	v3 =	vmul.f32 v13, v23;
	[tilespmem:s18+$0xFFFFF830] =	vst v20  }
0x7a: {  	s1 =	simm.s32 $0x1C;
	v5 =	vmul.f32 v19, v15;
	[tilespmem:s18+$0xFFFFF030] =	vst v16  }
0x7b: {  	s2 =	simm.s32 $0x81C;
	v6 =	vor.u32 s1, v2;
	[tilespmem:s18+$0x0] =	vst v3;
	v3 =	vmul.f32 v13, v22  }
0x7c: {  	s0 =	simm.s32 $0x181C;
	v14 =	vmov s2;
	v15 =	vshll.u32 v6, $0x3;
	v13 =	vmov s1;
	[tilespmem:s18+$0x810] =	vst v5  }
0x7d: {  	s12 =	simm.s32 $0x101C;
	s15 =	simm.s32 $0x2000;
	v15 =	vor.u32 v0, v15;
	v5 =	vmov s0;
	[tilespmem:s18+$0xFFFFF000] =	vst v3;
	v3 =	vshrl.u32 v14, $0x3  }
0x7e: {  	s16 =	simm.s32 $0x1000;
	v13 =	vshll.u32 v13, $0x3;
	v14 =	vmov s12;
	s18 =	simm.s32 $0x1;
	v3 =	vshll.u32 v3, v48;
	s14 =	rddreg [dreg:$0x4]  }
0x7f: {  	v16 =	vadd.s32 v46, v13;
	v14 =	vshrl.u32 v14, $0x3;
	[tilespmem:s11], [sflag:$0x1] =	stream.indirect.gather [hbm4b:s14+s15], $0x4, s16, s15, $0xb8;
	v3 =	vbroadcast v3, $0x0;
	[tilespmem:$0x17000] =	vst v63  }
0x80: {  	v5 =	vshrl.u32 v5, $0x3;
	v16 =	vor.u32 v0, v16;
	v14 =	vshll.u32 v14, v48;
	_ =	swait.ge [sflag:s18], $0x8000  }
0x81: {  	v17 =	vadd.s32 v47, v13;
	v14 =	vbroadcast v14, $0x0;
	v3 =	vor.u32 v12, v3;
	[sflag:s18] =	ssyncset.done $0x0  }
0x82: {  	v17 =	vor.u32 v0, v17;
	v5 =	vshll.u32 v5, v48;
	[sflag:s18] =	ssyncadd.s32 $0xFFFF8000  }
0x83: {  	v13 =	vadd.s32 v63, v13;
	v5 =	vbroadcast v5, $0x0;
	v14 =	vor.u32 v12, v14;
	v6 =	vld.idx.msk [tilespmem:v6+s13+$0x0], $0xffff  }
0x84: {  	v13 =	vor.u32 v0, v13;
	v15 =	vld.idx.msk [tilespmem:v15+s11+$0x0], $0xffff  }
0x85: {  	s28 =	simm.s32 $0xC;
	s29 =	simm.s32 $0x10;
	v5 =	vor.u32 v12, v5;
	v16 =	vld.idx.msk [tilespmem:v16+s11+$0x0], $0xffff  }
0x86: {  	s30 =	simm.s32 $0x14;
	s31 =	simm.s32 $0x18;
	v51 =	vmov s28;
	v52 =	vmov s29;
	v3 =	vld.idx.msk [tilespmem:v3+s13+$0x0], $0xffff  }
0x87: {  	s10 =	simm.s32 $0x1018;
	v53 =	vmov s30;
	v54 =	vmov s31;
	v55 =	vor.u32 s29, v2;
	v17 =	vld.idx.msk [tilespmem:v17+s11+$0x0], $0xffff  }
0x88: {  	s22 =	simm.s32 $0x0;
	s24 =	simm.s32 $0x1004;
	s4 =	simm.s32 $0x1014;
	v56 =	vor.u32 s30, v2;
	v57 =	vor.u32 s31, v2;
	v8 =	vor.u32 s10, v2;
	v25 =	vld.idx.msk [tilespmem:v14+s13+$0x0], $0xffff  }
0x89: {  	s17 =	simm.s32 $0x800;
	s25 =	simm.s32 $0x4;
	s26 =	simm.s32 $0x8;
	v27 =	vmov s4;
	v28 =	vor.u32 s22, v2;
	v24 =	vmov s24;
	v13 =	vld.idx.msk [tilespmem:v13+s11+$0x0], $0xffff  }
0x8a: {  	v29 =	vmov s25;
	v30 =	vmov s26;
	v18 =	vmov s17;
	v5 =	vld.idx.msk [tilespmem:v5+s13+$0x0], $0xffff  }
0x8b: {  	s3 =	simm.s32 $0x100C;
	v18 =	vshrl.u32 v18, $0x3;
	v6 =	vmul.f32 v6, v15;
	v3 =	vmul.f32 v3, v16  }
0x8c: {  	v31 =	vor.u32 s25, v2;
	v18 =	vshll.u32 v18, v48;
	v26 =	vmov s3;
	s19 =	simm.s32 $0x804  }
0x8d: {  	s20 =	simm.s32 $0x80C;
	s21 =	simm.s32 $0x814;
	v19 =	vmov s19;
	v3 =	vadd.f32 v3, v6;
	v6 =	vmul.f32 v25, v17  }
0x8e: {  	v20 =	vmov s20;
	v21 =	vmov s21;
	v19 =	vshrl.u32 v19, $0x3  }
0x8f: {  	v22 =	vmov s22;
	v5 =	vmul.f32 v5, v13;
	v3 =	vadd.f32 v6, v3  }
0x90: {  	v19 =	vshll.u32 v19, v48;
	v14 =	vshll.u32 v22, $0x3;
	v6 =	vshrl.u32 v26, $0x3  }
0x91: {  	v26 =	vshrl.u32 v27, $0x3;
	v27 =	vor.u32 s26, v2;
	v1 =	vadd.f32 v5, v3  }
0x92: {  	s23 =	simm.s32 $0x1000;
	v22 =	vbroadcast v19, $0x0;
	v19 =	vshll.u32 v30, $0x3;
	v30 =	vor.u32 s28, v2  }
0x93: {  	v23 =	vmov s23;
	v20 =	vshrl.u32 v20, $0x3;
	v21 =	vshrl.u32 v21, $0x3;
	[tilespmem:$0x1FEF0] =	vst v1  }
0x94: {  	v20 =	vshll.u32 v20, v48;
	v15 =	vshrl.u32 v23, $0x3;
	v16 =	vbroadcast v18, $0x0;
	v13 =	vld.idx.msk [tilespmem:v28+s13+$0x0], $0xffff  }
0x95: {  	v21 =	vshll.u32 v21, v48;
	v58 =	vshll.u32 v15, v48;
	v25 =	vbroadcast v20, $0x0;
	v5 =	vld.idx.msk [tilespmem:v31+s13+$0x0], $0xffff  }
0x96: {  	v18 =	vshll.u32 v29, $0x3;
	v29 =	vbroadcast v21, $0x0;
	v44 =	vor.u32 v2, v16;
	v15 =	vld.idx.msk [tilespmem:v27+s13+$0x0], $0xffff  }
0x97: {  	v33 =	vadd.s32 v46, v14;
	v17 =	vshrl.u32 v24, $0x3;
	v25 =	vor.u32 v12, v25;
	v16 =	vld.idx.msk [tilespmem:v30+s13+$0x0], $0xffff  }
0x98: {  	v45 =	vshll.u32 v30, $0x3;
	v29 =	vor.u32 v12, v29;
	v60 =	vshll.u32 v17, v48;
	v17 =	vld.idx.msk [tilespmem:v55+s13+$0x0], $0xffff  }
0x99: {  	v33 =	vor.u32 v0, v33;
	v59 =	vadd.s32 v46, v18;
	v30 =	vor.u32 v12, v22;
	v22 =	vld.idx.msk [tilespmem:v56+s13+$0x0], $0xffff  }
0x9a: {  	v61 =	vadd.s32 v46, v19;
	v21 =	vshll.u32 v51, $0x3;
	v37 =	vor.u32 v0, v59;
	v35 =	vld.idx.msk [tilespmem:v57+s13+$0x0], $0xffff  }
0x9b: {  	v23 =	vshll.u32 v52, $0x3;
	v39 =	vor.u32 v0, v61;
	v62 =	vadd.s32 v46, v21;
	v44 =	vld.idx.msk [tilespmem:v44+s13+$0x0], $0xffff  }
0x9c: {  	v41 =	vadd.s32 v46, v23;
	v20 =	vshll.u32 v53, $0x3;
	v40 =	vor.u32 v0, v62;
	v25 =	vld.idx.msk [tilespmem:v25+s13+$0x0], $0xffff  }
0x9d: {  	s4 =	simm.s32 $0x1814;
	v41 =	vor.u32 v0, v41;
	v24 =	vshll.u32 v54, $0x3;
	v42 =	vadd.s32 v46, v20;
	v29 =	vld.idx.msk [tilespmem:v29+s13+$0x0], $0xffff  }
0x9e: {  	v50 =	vmov s4;
	s3 =	simm.s32 $0x180C;
	v43 =	vadd.s32 v46, v24;
	v42 =	vor.u32 v0, v42;
	v33 =	vld.idx.msk [tilespmem:v33+s11+$0x0], $0xffff  }
0x9f: {  	v50 =	vshrl.u32 v50, $0x3;
	v49 =	vmov s3;
	v43 =	vor.u32 v0, v43;
	v37 =	vld.idx.msk [tilespmem:v37+s11+$0x0], $0xffff  }
0xa0: {  	v7 =	vmovc v48;
	v49 =	vshrl.u32 v49, $0x3;
	v45 =	vor.u32 v0, v45;
	v54 =	vshll.u32 v56, $0x3;
	v39 =	vld.idx.msk [tilespmem:v39+s11+$0x0], $0xffff  }
0xa1: {  	s5 =	simm.s32 $0x808;
	v50 =	vshll.u32 v50, v7;
	s1 =	simm.s32 $0x1800;
	v49 =	vshll.u32 v49, v7;
	v32 =	vor.u32 v0, v54;
	v40 =	vld.idx.msk [tilespmem:v40+s11+$0x0], $0xffff  }
0xa2: {  	s6 =	simm.s32 $0x810;
	v49 =	vbroadcast v49, $0x0;
	v51 =	vor.u32 s5, v2;
	v53 =	vmov s1;
	v41 =	vld.idx.msk [tilespmem:v41+s11+$0x0], $0xffff  }
0xa3: {  	v4 =	vmovc v47;
	s7 =	simm.s32 $0x818;
	v36 =	vbroadcast v58, $0x0;
	v47 =	vshrl.u32 v53, $0x3;
	v53 =	vor.u32 s6, v2;
	v42 =	vld.idx.msk [tilespmem:v42+s11+$0x0], $0xffff  }
0xa4: {  	v49 =	vor.u32 v12, v49;
	v52 =	vshll.u32 v55, $0x3;
	v54 =	vor.u32 s7, v2;
	v43 =	vld.idx.msk [tilespmem:v43+s11+$0x0], $0xffff  }
0xa5: {  	v58 =	vadd.s32 v4, v23;
	v36 =	vor.u32 v2, v36;
	v59 =	vadd.s32 v4, v20;
	v45 =	vld.idx.msk [tilespmem:v45+s11+$0x0], $0xffff  }
0xa6: {  	s9 =	simm.s32 $0x1010;
	v23 =	vadd.s32 v63, v23;
	v58 =	vor.u32 v0, v58;
	v59 =	vor.u32 v0, v59;
	v32 =	vld.idx.msk [tilespmem:v32+s11+$0x0], $0xffff  }
0xa7: {  	v62 =	vor.u32 s9, v2;
	v20 =	vadd.s32 v63, v20;
	v28 =	vshll.u32 v28, $0x3;
	v51 =	vld.idx.msk [tilespmem:v51+s13+$0x0], $0xffff  }
0xa8: {  	v47 =	vshll.u32 v47, v7;
	v31 =	vshll.u32 v31, $0x3;
	v53 =	vld.idx.msk [tilespmem:v53+s13+$0x0], $0xffff;
	v28 =	vor.u32 v0, v28  }
0xa9: {  	v6 =	vshll.u32 v6, v48;
	v27 =	vshll.u32 v27, $0x3;
	v54 =	vld.idx.msk [tilespmem:v54+s13+$0x0], $0xffff;
	v31 =	vor.u32 v0, v31  }
0xaa: {  	v26 =	vshll.u32 v26, v48;
	v47 =	vbroadcast v47, $0x0;
	v36 =	vld.idx.msk [tilespmem:v36+s13+$0x0], $0xffff;
	v27 =	vor.u32 v0, v27  }
0xab: {  	v6 =	vbroadcast v6, $0x0;
	v55 =	vshll.u32 v57, $0x3;
	v59 =	vld.idx.msk [tilespmem:v59+s11+$0x0], $0xffff;
	v1 =	vmovc v46;
	v46 =	vor.u32 v0, v52  }
0xac: {  	v38 =	vbroadcast v60, $0x0;
	v26 =	vbroadcast v26, $0x0;
	v48 =	vor.u32 v0, v55;
	v30 =	vld.idx.msk [tilespmem:v30+s13+$0x0], $0xffff  }
0xad: {  	s2 =	simm.s32 $0x1804;
	v47 =	vor.u32 v2, v47;
	v6 =	vor.u32 v12, v6;
	v52 =	vadd.s32 v4, v14;
	v60 =	vld.idx.msk [tilespmem:v28+s11+$0x0], $0xffff  }
0xae: {  	v26 =	vor.u32 v12, v26;
	v56 =	vmov s2;
	v52 =	vor.u32 v0, v52;
	v31 =	vld.idx.msk [tilespmem:v31+s11+$0x0], $0xffff  }
0xaf: {  	v57 =	vadd.s32 v4, v21;
	v55 =	vadd.s32 v4, v18;
	v28 =	vor.u32 v12, v38;
	v27 =	vld.idx.msk [tilespmem:v27+s11+$0x0], $0xffff  }
0xb0: {  	v21 =	vadd.s32 v63, v21;
	v55 =	vor.u32 v0, v55;
	v61 =	vld.idx.msk [tilespmem:v46+s11+$0x0], $0xffff;
	v46 =	vbroadcast v50, $0x0  }
0xb1: {  	v34 =	vshrl.u32 v56, $0x3;
	v57 =	vor.u32 v0, v57;
	v16 =	vmul.f32 v16, v45;
	v48 =	vld.idx.msk [tilespmem:v48+s11+$0x0], $0xffff  }
0xb2: {  	v3 =	vor.u32 v12, v46;
	v46 =	vor.u32 v0, v23;
	v23 =	vmul.f32 v44, v33;
	v33 =	vld.idx.msk [tilespmem:v6+s13+$0x0], $0xffff  }
0xb3: {  	v44 =	vor.u32 v0, v20;
	v20 =	vmul.f32 v25, v40;
	v40 =	vld.idx.msk [tilespmem:v52+s11+$0x0], $0xffff;
	v25 =	vmul.f32 v51, v39  }
0xb4: {  	v56 =	vadd.s32 v4, v19;
	v28 =	vld.idx.msk [tilespmem:v28+s13+$0x0], $0xffff;
	v13 =	vmul.f32 v13, v60;
	v15 =	vmul.f32 v15, v27  }
0xb5: {  	v56 =	vor.u32 v0, v56;
	v5 =	vmul.f32 v5, v31;
	v31 =	vld.idx.msk [tilespmem:v55+s11+$0x0], $0xffff;
	v17 =	vmul.f32 v17, v61  }
0xb6: {  	v27 =	vld.idx.msk [tilespmem:v57+s11+$0x0], $0xffff;
	v13 =	vadd.f32 v23, v13;
	v23 =	vmul.f32 v53, v41;
	v6 =	vadd.f32 v25, v15  }
0xb7: {  	v14 =	vadd.s32 v63, v14;
	v16 =	vadd.f32 v20, v16;
	v20 =	vmul.f32 v22, v32;
	v57 =	vld.idx.msk [tilespmem:v26+s13+$0x0], $0xffff  }
0xb8: {  	v26 =	vmul.f32 v54, v43;
	v22 =	vmul.f32 v35, v48;
	[tilespmem:$0x1FE60] =	vst v6;
	v6 =	vadd.f32 v23, v17  }
0xb9: {  	v18 =	vadd.s32 v63, v18;
	v38 =	vadd.s32 v4, v24;
	v30 =	vmul.f32 v30, v37  }
0xba: {  	v38 =	vor.u32 v0, v38;
	v15 =	vmul.f32 v36, v40;
	[tilespmem:$0x1FE70] =	vst v6;
	v6 =	vadd.f32 v26, v22  }
0xbb: {  	s8 =	simm.s32 $0x1008;
	v19 =	vadd.s32 v63, v19;
	v5 =	vadd.f32 v30, v5;
	v17 =	vmul.f32 v28, v31;
	v30 =	vld.idx.msk [tilespmem:v56+s11+$0x0], $0xffff  }
0xbc: {  	v34 =	vshll.u32 v34, v7;
	v50 =	vor.u32 s8, v2;
	v31 =	vld.idx.msk [tilespmem:v58+s11+$0x0], $0xffff;
	[tilespmem:$0x1FE90] =	vst v6;
	v6 =	vadd.f32 v15, v13  }
0xbd: {  	v21 =	vor.u32 v0, v21;
	v34 =	vbroadcast v34, $0x0;
	v5 =	vadd.f32 v17, v5  }
0xbe: {  	v14 =	vor.u32 v0, v14;
	v18 =	vor.u32 v0, v18;
	v19 =	vor.u32 v0, v19;
	[tilespmem:$0x1FEA0] =	vst v6  }
0xbf: {  	s29 =	simm.s32 $0x28;
	s20 =	simm.s32 $0x820;
	s28 =	simm.s32 $0x24;
	v34 =	vor.u32 v12, v34;
	v37 =	vmul.f32 v29, v42;
	v32 =	vld.idx.msk [tilespmem:v38+s11+$0x0], $0xffff;
	[tilespmem:$0x1FEB0] =	vst v5  }
0xc0: {  	s19 =	simm.s32 $0x103C;
	v42 =	vmov s28;
	v61 =	vmov s20;
	v55 =	vmov s29;
	v5 =	vld.idx.msk [tilespmem:v49+s13+$0x0], $0xffff  }
0xc1: {  	v40 =	vadd.f32 v37, v20;
	v20 =	vmul.f32 v33, v27;
	v28 =	vmov s19;
	v35 =	vld.idx.msk [tilespmem:v50+s13+$0x0], $0xffff  }
0xc2: {  	s17 =	simm.s32 $0x3C;
	s18 =	simm.s32 $0x83C;
	v48 =	vmul.f32 v57, v59;
	v59 =	vor.u32 s28, v2;
	v28 =	vshrl.u32 v28, $0x3;
	v33 =	vld.idx.msk [tilespmem:v62+s13+$0x0], $0xffff  }
0xc3: {  	s16 =	simm.s32 $0x183C;
	v10 =	vadd.f32 v20, v16;
	v16 =	vmov s17;
	v17 =	vmov s18;
	v27 =	vld.idx.msk [tilespmem:v8+s13+$0x0], $0xffff  }
0xc4: {  	v13 =	vmov s16;
	v15 =	vor.u32 s17, v2;
	v17 =	vshrl.u32 v17, $0x3;
	v37 =	vld.idx.msk [tilespmem:v47+s13+$0x0], $0xffff  }
0xc5: {  	v16 =	vshll.u32 v16, $0x3;
	v22 =	vshll.u32 v15, $0x3;
	v13 =	vshrl.u32 v13, $0x3;
	v36 =	vld.idx.msk [tilespmem:v34+s13+$0x0], $0xffff;
	[tilespmem:$0x1FE80] =	vst v5  }
0xc6: {  	v60 =	vadd.s32 v1, v16;
	v22 =	vor.u32 v0, v22;
	v13 =	vshll.u32 v13, v7;
	v39 =	vld.idx.msk [tilespmem:v3+s13+$0x0], $0xffff  }
0xc7: {  	s23 =	simm.s32 $0x834;
	v17 =	vshll.u32 v17, v7;
	v13 =	vbroadcast v13, $0x0;
	v34 =	vor.u32 v0, v60;
	v43 =	vld.idx.msk [tilespmem:v14+s11+$0x0], $0xffff  }
0xc8: {  	s24 =	simm.s32 $0x20;
	v28 =	vshll.u32 v28, v7;
	v17 =	vbroadcast v17, $0x0;
	v62 =	vmov s23;
	v26 =	vld.idx.msk [tilespmem:v18+s11+$0x0], $0xffff  }
0xc9: {  	v56 =	vor.u32 s24, v2;
	v13 =	vor.u32 v12, v13;
	v47 =	vshrl.u32 v62, $0x3;
	v38 =	vld.idx.msk [tilespmem:v19+s11+$0x0], $0xffff  }
0xca: {  	v28 =	vbroadcast v28, $0x0;
	v47 =	vshll.u32 v47, v7;
	v3 =	vor.u32 v12, v17;
	v15 =	vld.idx.msk [tilespmem:v15+s13+$0x0], $0xffff  }
0xcb: {  	s30 =	simm.s32 $0x2C;
	v47 =	vbroadcast v47, $0x0;
	v17 =	vadd.s32 v4, v16;
	v16 =	vadd.s32 v63, v16;
	v22 =	vld.idx.msk [tilespmem:v22+s11+$0x0], $0xffff  }
0xcc: {  	v49 =	vmov s24;
	v62 =	vor.u32 s30, v2;
	v34 =	vld.idx.msk [tilespmem:v34+s11+$0x0], $0xffff;
	v16 =	vor.u32 v0, v16  }
0xcd: {  	s21 =	simm.s32 $0x824;
	s22 =	simm.s32 $0x82C;
	v23 =	vshll.u32 v49, $0x3;
	v47 =	vor.u32 v12, v47;
	v50 =	vld.idx.msk [tilespmem:v21+s11+$0x0], $0xffff;
	v14 =	vor.u32 v0, v17  }
0xce: {  	v18 =	vmov s21;
	v19 =	vmov s22;
	v20 =	vld.idx.msk [tilespmem:v13+s13+$0x0], $0xffff;
	v17 =	vor.u32 v12, v28  }
0xcf: {  	v28 =	vshrl.u32 v61, $0x3;
	v18 =	vshrl.u32 v18, $0x3;
	v19 =	vshrl.u32 v19, $0x3;
	v3 =	vld.idx.msk [tilespmem:v3+s13+$0x0], $0xffff  }
0xd0: {  	v8 =	vld.idx.msk [tilespmem:v56+s13+$0x0], $0xffff;
	v28 =	vshll.u32 v28, v7;
	v18 =	vshll.u32 v18, v7;
	v19 =	vshll.u32 v19, v7  }
0xd1: {  	v21 =	vbroadcast v28, $0x0;
	v28 =	vor.u32 s29, v2;
	v61 =	vld.idx.msk [tilespmem:v16+s11+$0x0], $0xffff;
	v16 =	vbroadcast v18, $0x0  }
0xd2: {  	v15 =	vmul.f32 v15, v22;
	v22 =	vshll.u32 v42, $0x3;
	v57 =	vld.idx.msk [tilespmem:v14+s11+$0x0], $0xffff;
	v14 =	vmov s30  }
0xd3: {  	s6 =	simm.s32 $0x34;
	v17 =	vld.idx.msk [tilespmem:v17+s13+$0x0], $0xffff;
	v18 =	vbroadcast v19, $0x0;
	v19 =	vor.u32 v2, v21;
	v5 =	vor.u32 v12, v16  }
0xd4: {  	v49 =	vld.idx.msk [tilespmem:v59+s13+$0x0], $0xffff;
	v16 =	vadd.s32 v1, v23;
	v3 =	vmul.f32 v3, v34;
	v34 =	vmov s6  }
0xd5: {  	v47 =	vld.idx.msk [tilespmem:v47+s13+$0x0], $0xffff;
	v42 =	vshll.u32 v14, $0x3;
	v6 =	vor.u32 v0, v16;
	v25 =	vshll.u32 v34, $0x3  }
0xd6: {  	v21 =	vld.idx.msk [tilespmem:v62+s13+$0x0], $0xffff;
	v34 =	vadd.s32 v1, v42;
	v13 =	vadd.f32 v3, v15;
	v15 =	vor.u32 v12, v18  }
0xd7: {  	v55 =	vshll.u32 v55, $0x3;
	v54 =	vld.idx.msk [tilespmem:v28+s13+$0x0], $0xffff;
	v18 =	vadd.s32 v1, v22;
	v34 =	vor.u32 v0, v34  }
0xd8: {  	v19 =	vld.idx.msk [tilespmem:v19+s13+$0x0], $0xffff;
	v17 =	vmul.f32 v17, v57;
	v3 =	vadd.s32 v1, v25;
	v18 =	vor.u32 v0, v18  }
0xd9: {  	v56 =	vshll.u32 v56, $0x3;
	v57 =	vadd.s32 v1, v55;
	v14 =	vld.idx.msk [tilespmem:v5+s13+$0x0], $0xffff;
	v5 =	vor.u32 v0, v3  }
0xda: {  	s5 =	simm.s32 $0x30;
	v20 =	vmul.f32 v20, v61;
	v57 =	vor.u32 v0, v57;
	v13 =	vadd.f32 v17, v13;
	v6 =	vld.idx.msk [tilespmem:v6+s11+$0x0], $0xffff  }
0xdb: {  	v60 =	vmov s5;
	v59 =	vshll.u32 v59, $0x3;
	v56 =	vor.u32 v0, v56;
	v15 =	vld.idx.msk [tilespmem:v15+s13+$0x0], $0xffff  }
0xdc: {  	v59 =	vor.u32 v0, v59;
	v28 =	vshll.u32 v28, $0x3;
	v9 =	vadd.f32 v20, v13;
	v34 =	vld.idx.msk [tilespmem:v34+s11+$0x0], $0xffff  }
0xdd: {  	v60 =	vshll.u32 v60, $0x3;
	v28 =	vor.u32 v0, v28;
	v18 =	vld.idx.msk [tilespmem:v18+s11+$0x0], $0xffff  }
0xde: {  	s12 =	simm.s32 $0x1808;
	v24 =	vadd.s32 v63, v24;
	v17 =	vadd.s32 v1, v60;
	v5 =	vld.idx.msk [tilespmem:v5+s11+$0x0], $0xffff;
	[tilespmem:$0x1FF00] =	vst v9  }
0xdf: {  	s25 =	simm.s32 $0x1020;
	s9 =	simm.s32 $0x828;
	v45 =	vor.u32 v0, v24;
	v52 =	vor.u32 s12, v2;
	v17 =	vor.u32 v0, v17;
	v57 =	vld.idx.msk [tilespmem:v57+s11+$0x0], $0xffff  }
0xe0: {  	s14 =	simm.s32 $0x1810;
	v51 =	vmov s25;
	v13 =	vshll.u32 v62, $0x3;
	v62 =	vor.u32 s9, v2;
	v56 =	vld.idx.msk [tilespmem:v56+s11+$0x0], $0xffff  }
0xe1: {  	s10 =	simm.s32 $0x830;
	s26 =	simm.s32 $0x1024;
	v51 =	vshrl.u32 v51, $0x3;
	v29 =	vor.u32 s14, v2;
	v13 =	vor.u32 v0, v13;
	v59 =	vld.idx.msk [tilespmem:v59+s11+$0x0], $0xffff  }
0xe2: {  	s31 =	simm.s32 $0x102C;
	v53 =	vmov s26;
	v6 =	vmul.f32 v19, v6;
	v19 =	vor.u32 s10, v2;
	v28 =	vld.idx.msk [tilespmem:v28+s11+$0x0], $0xffff  }
0xe3: {  	s8 =	simm.s32 $0x38;
	v51 =	vshll.u32 v51, v7;
	v53 =	vshrl.u32 v53, $0x3;
	v58 =	vmov s31;
	v44 =	vld.idx.msk [tilespmem:v44+s11+$0x0], $0xffff  }
0xe4: {  	v40 =	vadd.f32 v48, v40;
	v58 =	vshrl.u32 v58, $0x3;
	v61 =	vmov s8;
	v16 =	vld.idx.msk [tilespmem:v17+s11+$0x0], $0xffff  }
0xe5: {  	v24 =	vshll.u32 v61, $0x3;
	v61 =	vld.idx.msk [tilespmem:v62+s13+$0x0], $0xffff;
	v14 =	vmul.f32 v14, v18;
	v18 =	vor.u32 s5, v2  }
0xe6: {  	s14 =	simm.s32 $0x1820;
	v62 =	vadd.s32 v1, v24;
	v15 =	vmul.f32 v15, v34;
	v13 =	vld.idx.msk [tilespmem:v13+s11+$0x0], $0xffff;
	v48 =	vshll.u32 v18, $0x3  }
0xe7: {  	v19 =	vld.idx.msk [tilespmem:v19+s13+$0x0], $0xffff;
	v49 =	vmul.f32 v49, v59;
	v59 =	vmov s14;
	v48 =	vor.u32 v0, v48  }
0xe8: {  	v62 =	vor.u32 v0, v62;
	v56 =	vmul.f32 v8, v56;
	v8 =	vld.idx.msk [tilespmem:v46+s11+$0x0], $0xffff;
	v59 =	vshrl.u32 v59, $0x3  }
0xe9: {  	v34 =	vor.u32 s6, v2;
	v14 =	vadd.f32 v14, v49;
	v49 =	vshll.u32 v59, v7;
	v59 =	vld.idx.msk [tilespmem:v45+s11+$0x0], $0xffff  }
0xea: {  	s12 =	simm.s32 $0x838;
	v5 =	vmul.f32 v47, v5;
	v47 =	vor.u32 s8, v2;
	v46 =	vshll.u32 v58, v7;
	v45 =	vld.idx.msk [tilespmem:v52+s13+$0x0], $0xffff  }
0xeb: {  	v58 =	vor.u32 s12, v2;
	v28 =	vmul.f32 v54, v28;
	v54 =	vshll.u32 v34, $0x3;
	v18 =	vld.idx.msk [tilespmem:v18+s13+$0x0], $0xffff  }
0xec: {  	v54 =	vor.u32 v0, v54;
	v57 =	vmul.f32 v61, v57;
	v61 =	vshll.u32 v47, $0x3;
	v48 =	vld.idx.msk [tilespmem:v48+s11+$0x0], $0xffff  }
0xed: {  	s15 =	simm.s32 $0x1818;
	v53 =	vshll.u32 v53, v7;
	v6 =	vadd.f32 v6, v56;
	v56 =	vor.u32 v0, v61;
	v61 =	vld.idx.msk [tilespmem:v62+s11+$0x0], $0xffff  }
0xee: {  	v51 =	vbroadcast v51, $0x0;
	v41 =	vor.u32 s15, v2;
	s15 =	simm.s32 $0x1824;
	v53 =	vbroadcast v53, $0x0;
	v34 =	vld.idx.msk [tilespmem:v34+s13+$0x0], $0xffff  }
0xef: {  	v13 =	vmul.f32 v21, v13;
	v21 =	vmov s15;
	v47 =	vld.idx.msk [tilespmem:v47+s13+$0x0], $0xffff  }
0xf0: {  	v51 =	vor.u32 v2, v51;
	v53 =	vor.u32 v12, v53;
	v21 =	vshrl.u32 v21, $0x3;
	v58 =	vld.idx.msk [tilespmem:v58+s13+$0x0], $0xffff  }
0xf1: {  	s7 =	simm.s32 $0x1034;
	v9 =	vshll.u32 v21, v7;
	v54 =	vld.idx.msk [tilespmem:v54+s11+$0x0], $0xffff;
	v18 =	vmul.f32 v18, v48;
	v48 =	vadd.s32 v4, v23  }
0xf2: {  	v3 =	vmov s7;
	v56 =	vld.idx.msk [tilespmem:v56+s11+$0x0], $0xffff;
	[tilespmem:$0x1FEC0] =	vst v9;
	v52 =	vor.u32 v0, v48  }
0xf3: {  	v3 =	vshrl.u32 v3, $0x3;
	v15 =	vadd.f32 v15, v13;
	v13 =	vld.idx.msk [tilespmem:v29+s13+$0x0], $0xffff  }
0xf4: {  	v3 =	vshll.u32 v3, v7;
	v16 =	vmul.f32 v19, v16;
	v41 =	vld.idx.msk [tilespmem:v41+s13+$0x0], $0xffff  }
0xf5: {  	v3 =	vbroadcast v3, $0x0;
	v51 =	vld.idx.msk [tilespmem:v51+s13+$0x0], $0xffff  }
0xf6: {  	s16 =	simm.s32 $0x182C;
	s17 =	simm.s32 $0x1834;
	v53 =	vld.idx.msk [tilespmem:v53+s13+$0x0], $0xffff;
	v9 =	vadd.f32 v16, v18  }
0xf7: {  	v3 =	vor.u32 v12, v3;
	v62 =	vmov s17;
	v19 =	vmov s16;
	v52 =	vld.idx.msk [tilespmem:v52+s11+$0x0], $0xffff  }
0xf8: {  	v46 =	vbroadcast v46, $0x0;
	v62 =	vshrl.u32 v62, $0x3;
	v19 =	vshrl.u32 v19, $0x3;
	[tilespmem:$0x1FED0] =	vst v9;
	v9 =	vld [tilespmem:$0x1FE60]  }
0xf9: {  	v29 =	vadd.s32 v4, v55;
	v58 =	vmul.f32 v58, v61;
	v48 =	vshll.u32 v19, v7  }
0xfa: {  	v19 =	vor.u32 v12, v46;
	v46 =	vadd.s32 v4, v60;
	v47 =	vmul.f32 v47, v56  }
0xfb: {  	v18 =	vor.u32 v0, v29;
	v29 =	vor.u32 v0, v46;
	v46 =	vmul.f32 v35, v30  }
0xfc: {  	v57 =	vadd.f32 v57, v28;
	v28 =	vadd.s32 v4, v25;
	v11 =	vshll.u32 v62, v7  }
0xfd: {  	v62 =	vor.u32 v0, v28;
	v28 =	vadd.f32 v58, v47;
	v58 =	vadd.f32 v46, v9;
	v9 =	vld [tilespmem:$0x1FE70];
	_ =	sdelay $0x2  }
0xfe: {  	v31 =	vmul.f32 v33, v31;
	v61 =	vadd.s32 v4, v22  }
0xff: {  	v61 =	vor.u32 v0, v61;
	v33 =	vld.idx.msk [tilespmem:v3+s13+$0x0], $0xffff  }
0x100: {  	v3 =	vmul.f32 v27, v32;
	v27 =	vmul.f32 v51, v52;
	v52 =	vadd.f32 v31, v9;
	v9 =	vld [tilespmem:$0x1FE80];
	_ =	sdelay $0x3  }
0x101: {  	v56 =	vld.idx.msk [tilespmem:v61+s11+$0x0], $0xffff  }
0x102: {  	v34 =	vmul.f32 v34, v54;
	v54 =	vadd.s32 v4, v42;
	v17 =	vmul.f32 v9, v50;
	v9 =	vld [tilespmem:$0x1FE90]  }
0x103: {  	v54 =	vor.u32 v0, v54;
	_ =	sdelay $0x2  }
0x104: {  	v43 =	vmul.f32 v37, v43;
	v36 =	vmul.f32 v36, v26  }
0x105: {  	v19 =	vld.idx.msk [tilespmem:v19+s13+$0x0], $0xffff;
	v26 =	vmul.f32 v53, v56;
	v37 =	vadd.f32 v3, v9;
	v3 =	vadd.f32 v27, v6  }
0x106: {  	v54 =	vld.idx.msk [tilespmem:v54+s11+$0x0], $0xffff  }
0x107: {  	v62 =	vld.idx.msk [tilespmem:v62+s11+$0x0], $0xffff;
	[tilespmem:$0x1FEE0] =	vst v3;
	v3 =	vadd.f32 v26, v14;
	_ =	sdelay $0x1  }
0x108: {  	[tilespmem:$0x1FF20] =	vst v3;
	v3 =	vld [tilespmem:$0x1FEA0];
	_ =	sdelay $0x4  }
0x109: {  	v3 =	vadd.f32 v43, v3  }
0x10a: {  	s18 =	simm.s32 $0x1028;
	v21 =	vmul.f32 v39, v44;
	v45 =	vmul.f32 v45, v38;
	v23 =	vadd.s32 v63, v23  }
0x10b: {  	s19 =	simm.s32 $0x1030;
	v23 =	vor.u32 v0, v23;
	v16 =	vadd.s32 v4, v24;
	v30 =	vor.u32 s18, v2;
	[tilespmem:$0x1FF10] =	vst v3;
	v3 =	vld [tilespmem:$0x1FEB0]  }
0x10c: {  	s26 =	simm.s32 $0x84C;
	s29 =	simm.s32 $0x40;
	v35 =	vadd.f32 v5, v34;
	v5 =	vor.u32 s19, v2;
	v34 =	vor.u32 v0, v16  }
0x10d: {  	s21 =	simm.s32 $0x5C;
	s22 =	simm.s32 $0x85C;
	v61 =	vmov s26;
	v51 =	vmul.f32 v41, v59;
	v41 =	vmov s29  }
0x10e: {  	s23 =	simm.s32 $0x105C;
	v31 =	vmov s21;
	v14 =	vmul.f32 v19, v54;
	v19 =	vmov s22  }
0x10f: {  	v56 =	vmov s23;
	v31 =	vshll.u32 v31, $0x3;
	v19 =	vshrl.u32 v19, $0x3  }
0x110: {  	s28 =	simm.s32 $0x854;
	v59 =	vadd.s32 v1, v31;
	v19 =	vshll.u32 v19, v7;
	v3 =	vadd.f32 v36, v3  }
0x111: {  	v43 =	vmul.f32 v33, v62;
	v33 =	vshrl.u32 v56, $0x3;
	v62 =	vmov s28  }
0x112: {  	v33 =	vshll.u32 v33, v7;
	v39 =	vshrl.u32 v62, $0x3;
	[tilespmem:$0x1FF30] =	vst v3;
	v3 =	vadd.f32 v14, v15  }
0x113: {  	s4 =	simm.s32 $0x54;
	v19 =	vbroadcast v19, $0x0;
	v33 =	vbroadcast v33, $0x0;
	v39 =	vshll.u32 v39, v7  }
0x114: {  	v46 =	vmov s4;
	v39 =	vbroadcast v39, $0x0;
	v36 =	vor.u32 v0, v59;
	[tilespmem:$0x1FF40] =	vst v3  }
0x115: {  	s20 =	simm.s32 $0x185C;
	v19 =	vor.u32 v12, v19;
	v56 =	vor.u32 s29, v2;
	v33 =	vor.u32 v12, v33;
	v47 =	vld.idx.msk [tilespmem:v18+s11+$0x0], $0xffff  }
0x116: {  	s31 =	simm.s32 $0x4C;
	v39 =	vor.u32 v12, v39;
	v14 =	vmov s20;
	v15 =	vor.u32 s21, v2;
	v44 =	vld.idx.msk [tilespmem:v29+s11+$0x0], $0xffff  }
0x117: {  	v59 =	vmov s31;
	v54 =	vshll.u32 v15, $0x3;
	v14 =	vshrl.u32 v14, $0x3;
	v27 =	vld.idx.msk [tilespmem:v34+s11+$0x0], $0xffff  }
0x118: {  	s24 =	simm.s32 $0x840;
	v26 =	vshll.u32 v59, $0x3;
	v32 =	vor.u32 v0, v54;
	v14 =	vshll.u32 v14, v7;
	v50 =	vld.idx.msk [tilespmem:v30+s13+$0x0], $0xffff  }
0x119: {  	s25 =	simm.s32 $0x844;
	v3 =	vadd.s32 v1, v26;
	v18 =	vadd.s32 v4, v31;
	v29 =	vmov s24;
	v36 =	vld.idx.msk [tilespmem:v36+s11+$0x0], $0xffff  }
0x11a: {  	s30 =	simm.s32 $0x44;
	v31 =	vadd.s32 v63, v31;
	v14 =	vbroadcast v14, $0x0;
	v30 =	vmov s25;
	v19 =	vld.idx.msk [tilespmem:v19+s13+$0x0], $0xffff  }
0x11b: {  	v34 =	vshrl.u32 v61, $0x3;
	v54 =	vld.idx.msk [tilespmem:v5+s13+$0x0], $0xffff;
	v5 =	vmov s30;
	v61 =	vor.u32 s30, v2  }
0x11c: {  	v62 =	vld.idx.msk [tilespmem:v33+s13+$0x0], $0xffff;
	v33 =	vshll.u32 v46, $0x3;
	v6 =	vor.u32 v0, v3;
	v31 =	vor.u32 v0, v31  }
0x11d: {  	v20 =	vld.idx.msk [tilespmem:v56+s13+$0x0], $0xffff;
	v18 =	vor.u32 v0, v18;
	v29 =	vshrl.u32 v29, $0x3;
	v30 =	vshrl.u32 v30, $0x3  }
0x11e: {  	v9 =	vshll.u32 v5, $0x3;
	v15 =	vld.idx.msk [tilespmem:v15+s13+$0x0], $0xffff;
	v14 =	vor.u32 v12, v14;
	v29 =	vshll.u32 v29, v7  }
0x11f: {  	s5 =	simm.s32 $0x48;
	v30 =	vshll.u32 v30, v7;
	v38 =	vadd.s32 v1, v9;
	v29 =	vbroadcast v29, $0x0;
	v32 =	vld.idx.msk [tilespmem:v32+s11+$0x0], $0xffff  }
0x120: {  	v3 =	vmov s5;
	v39 =	vld.idx.msk [tilespmem:v39+s13+$0x0], $0xffff;
	v30 =	vbroadcast v30, $0x0;
	v38 =	vor.u32 v0, v38  }
0x121: {  	v56 =	vshll.u32 v56, $0x3;
	v29 =	vor.u32 v2, v29;
	v16 =	vld.idx.msk [tilespmem:v31+s11+$0x0], $0xffff;
	v31 =	vshll.u32 v41, $0x3  }
0x122: {  	v34 =	vshll.u32 v34, v7;
	v30 =	vor.u32 v12, v30;
	v18 =	vld.idx.msk [tilespmem:v18+s11+$0x0], $0xffff;
	v5 =	vadd.s32 v1, v31  }
0x123: {  	v46 =	vadd.s32 v1, v33;
	v34 =	vbroadcast v34, $0x0;
	v59 =	vld.idx.msk [tilespmem:v61+s13+$0x0], $0xffff;
	v5 =	vor.u32 v0, v5  }
0x124: {  	v19 =	vmul.f32 v19, v36;
	v41 =	vshll.u32 v3, $0x3;
	v14 =	vld.idx.msk [tilespmem:v14+s13+$0x0], $0xffff;
	v15 =	vmul.f32 v15, v32  }
0x125: {  	v3 =	vshll.u32 v61, $0x3;
	v61 =	vor.u32 v0, v56;
	v56 =	vadd.f32 v45, v58;
	v58 =	vld.idx.msk [tilespmem:v38+s11+$0x0], $0xffff  }
0x126: {  	v29 =	vld.idx.msk [tilespmem:v29+s13+$0x0], $0xffff;
	v15 =	vadd.f32 v19, v15;
	v19 =	vor.u32 v0, v46  }
0x127: {  	v34 =	vor.u32 v12, v34;
	v36 =	vadd.s32 v1, v41;
	v30 =	vld.idx.msk [tilespmem:v30+s13+$0x0], $0xffff;
	v18 =	vmul.f32 v62, v18  }
0x128: {  	v53 =	vmul.f32 v13, v8;
	v45 =	vor.u32 v0, v36;
	v62 =	vor.u32 s5, v2;
	v13 =	vld.idx.msk [tilespmem:v5+s11+$0x0], $0xffff  }
0x129: {  	s8 =	simm.s32 $0x848;
	v23 =	vld.idx.msk [tilespmem:v23+s11+$0x0], $0xffff;
	v14 =	vmul.f32 v14, v16;
	v15 =	vadd.f32 v18, v15;
	v18 =	vshll.u32 v62, $0x3  }
0x12a: {  	s7 =	simm.s32 $0x50;
	v6 =	vld.idx.msk [tilespmem:v6+s11+$0x0], $0xffff;
	v5 =	vor.u32 v0, v3;
	v3 =	vor.u32 s8, v2;
	v16 =	vor.u32 v0, v18  }
0x12b: {  	s9 =	simm.s32 $0x58;
	v38 =	vadd.f32 v14, v15;
	v18 =	vld.idx.msk [tilespmem:v19+s11+$0x0], $0xffff;
	v19 =	vadd.f32 v21, v40;
	v21 =	vmov s7  }
0x12c: {  	v34 =	vld.idx.msk [tilespmem:v34+s13+$0x0], $0xffff;
	v14 =	vmov s9;
	v36 =	vshll.u32 v21, $0x3;
	v21 =	vor.u32 s31, v2  }
0x12d: {  	v45 =	vld.idx.msk [tilespmem:v45+s11+$0x0], $0xffff;
	v13 =	vmul.f32 v29, v13;
	v29 =	vmul.f32 v30, v58;
	v46 =	vshll.u32 v21, $0x3  }
0x12e: {  	v15 =	vld.idx.msk [tilespmem:v61+s11+$0x0], $0xffff;
	v58 =	vbroadcast v49, $0x0;
	v49 =	vshll.u32 v14, $0x3;
	v14 =	vor.u32 v0, v46  }
0x12f: {  	s6 =	simm.s32 $0x1038;
	v11 =	vbroadcast v11, $0x0;
	v32 =	vadd.f32 v17, v10;
	v61 =	vadd.s32 v1, v36;
	v3 =	vld.idx.msk [tilespmem:v3+s13+$0x0], $0xffff  }
0x130: {  	s10 =	simm.s32 $0x850;
	v17 =	vor.u32 s6, v2;
	v10 =	vor.u32 s4, v2;
	v62 =	vld.idx.msk [tilespmem:v62+s13+$0x0], $0xffff;
	v8 =	vor.u32 v0, v61  }
0x131: {  	s12 =	simm.s32 $0x858;
	v6 =	vmul.f32 v34, v6;
	v5 =	vld.idx.msk [tilespmem:v5+s11+$0x0], $0xffff;
	v18 =	vmul.f32 v39, v18;
	v39 =	vor.u32 s10, v2  }
0x132: {  	v34 =	vadd.f32 v43, v35;
	v43 =	vor.u32 s12, v2;
	v30 =	vor.u32 s7, v2;
	v21 =	vld.idx.msk [tilespmem:v21+s13+$0x0], $0xffff  }
0x133: {  	v61 =	vadd.s32 v1, v49;
	v46 =	vadd.f32 v53, v52;
	v35 =	vshll.u32 v30, $0x3;
	v14 =	vld.idx.msk [tilespmem:v14+s11+$0x0], $0xffff  }
0x134: {  	v16 =	vld.idx.msk [tilespmem:v16+s11+$0x0], $0xffff;
	v52 =	vor.u32 v0, v35;
	v35 =	vshll.u32 v10, $0x3;
	v3 =	vmul.f32 v3, v45  }
0x135: {  	v40 =	vmovc v2;
	v45 =	vor.u32 s9, v2;
	v2 =	vadd.f32 v51, v37;
	v51 =	vor.u32 v0, v35;
	v8 =	vld.idx.msk [tilespmem:v8+s11+$0x0], $0xffff  }
0x136: {  	v11 =	vor.u32 v12, v11;
	v53 =	vor.u32 v0, v61;
	v39 =	vld.idx.msk [tilespmem:v39+s13+$0x0], $0xffff  }
0x137: {  	s14 =	simm.s32 $0x1040;
	s15 =	simm.s32 $0x1044;
	v22 =	vadd.s32 v63, v22;
	v1 =	vld [tilespmem:$0x1FEC0];
	v15 =	vmul.f32 v20, v15;
	v58 =	vor.u32 v40, v58  }
0x138: {  	v61 =	vld.idx.msk [tilespmem:v43+s13+$0x0], $0xffff;
	v43 =	vmov s15;
	v14 =	vmul.f32 v21, v14;
	v21 =	vmov s14  }
0x139: {  	v10 =	vld.idx.msk [tilespmem:v10+s13+$0x0], $0xffff;
	v13 =	vadd.f32 v13, v15;
	v15 =	vshll.u32 v45, $0x3;
	v21 =	vshrl.u32 v21, $0x3  }
0x13a: {  	v5 =	vmul.f32 v59, v5;
	v15 =	vor.u32 v0, v15;
	v51 =	vld.idx.msk [tilespmem:v51+s11+$0x0], $0xffff;
	v21 =	vshll.u32 v21, v7  }
0x13b: {  	v53 =	vld.idx.msk [tilespmem:v53+s11+$0x0], $0xffff;
	v8 =	vmul.f32 v39, v8;
	v39 =	vshrl.u32 v43, $0x3;
	v21 =	vbroadcast v21, $0x0  }
0x13c: {  	v30 =	vld.idx.msk [tilespmem:v30+s13+$0x0], $0xffff;
	v59 =	vbroadcast v1, $0x0;
	v16 =	vmul.f32 v62, v16;
	v39 =	vshll.u32 v39, v7  }
0x13d: {  	v52 =	vld.idx.msk [tilespmem:v52+s11+$0x0], $0xffff;
	v35 =	vor.u32 v40, v21;
	v21 =	vadd.f32 v6, v14;
	v6 =	vadd.s32 v4, v31  }
0x13e: {  	v5 =	vadd.f32 v29, v5;
	v29 =	vld.idx.msk [tilespmem:v58+s13+$0x0], $0xffff;
	v39 =	vbroadcast v39, $0x0;
	v6 =	vor.u32 v0, v6  }
0x13f: {  	v22 =	vor.u32 v0, v22;
	v59 =	vor.u32 v12, v59;
	v45 =	vld.idx.msk [tilespmem:v45+s13+$0x0], $0xffff;
	v10 =	vmul.f32 v10, v51  }
0x140: {  	v15 =	vld.idx.msk [tilespmem:v15+s11+$0x0], $0xffff;
	v62 =	vmul.f32 v61, v53;
	v53 =	vadd.f32 v3, v16;
	v14 =	vor.u32 v12, v39  }
0x141: {  	v39 =	vld.idx.msk [tilespmem:v11+s13+$0x0], $0xffff;
	v11 =	vadd.s32 v4, v9;
	v20 =	vadd.f32 v18, v10;
	v18 =	vadd.s32 v63, v60  }
0x142: {  	v37 =	vor.u32 v0, v11;
	v11 =	vadd.s32 v63, v55;
	v18 =	vor.u32 v0, v18;
	v16 =	vld.idx.msk [tilespmem:v35+s13+$0x0], $0xffff  }
0x143: {  	v11 =	vor.u32 v0, v11;
	v6 =	vld.idx.msk [tilespmem:v6+s11+$0x0], $0xffff  }
0x144: {  	v22 =	vld.idx.msk [tilespmem:v22+s11+$0x0], $0xffff;
	v23 =	vmul.f32 v29, v23;
	v29 =	vadd.s32 v4, v26  }
0x145: {  	s18 =	simm.s32 $0x1830;
	v58 =	vld.idx.msk [tilespmem:v59+s13+$0x0], $0xffff;
	v1 =	vor.u32 v0, v29  }
0x146: {  	v17 =	vld.idx.msk [tilespmem:v17+s13+$0x0], $0xffff;
	v29 =	vor.u32 s18, v40;
	v15 =	vmul.f32 v45, v15  }
0x147: {  	v30 =	vmul.f32 v30, v52;
	v18 =	vld.idx.msk [tilespmem:v18+s11+$0x0], $0xffff  }
0x148: {  	s16 =	simm.s32 $0x104C;
	v52 =	vadd.f32 v62, v15;
	v15 =	vmul.f32 v54, v44;
	v54 =	vld.idx.msk [tilespmem:v11+s11+$0x0], $0xffff;
	v6 =	vmul.f32 v16, v6  }
0x149: {  	s17 =	simm.s32 $0x1828;
	v3 =	vmov s16;
	v51 =	vadd.f32 v8, v30;
	v8 =	vmul.f32 v50, v47;
	v11 =	vld [tilespmem:$0x1FED0]  }
0x14a: {  	v50 =	vor.u32 s17, v40;
	v22 =	vmul.f32 v58, v22;
	v58 =	vadd.f32 v6, v13;
	v13 =	vld.idx.msk [tilespmem:v1+s11+$0x0], $0xffff  }
0x14b: {  	v3 =	vshrl.u32 v3, $0x3;
	v1 =	vld.idx.msk [tilespmem:v29+s13+$0x0], $0xffff  }
0x14c: {  	v3 =	vshll.u32 v3, v7;
	v30 =	vld.idx.msk [tilespmem:v14+s13+$0x0], $0xffff  }
0x14d: {  	v25 =	vadd.s32 v63, v25;
	v3 =	vbroadcast v3, $0x0;
	v10 =	vld.idx.msk [tilespmem:v37+s11+$0x0], $0xffff  }
0x14e: {  	v25 =	vor.u32 v0, v25  }
0x14f: {  	v3 =	vor.u32 v12, v3;
	v60 =	vadd.f32 v8, v57;
	v8 =	vld.idx.msk [tilespmem:v50+s13+$0x0], $0xffff  }
0x150: {  	v35 =	vadd.f32 v15, v11;
	v15 =	vmul.f32 v1, v18;
	v1 =	vld [tilespmem:$0x1FEE0];
	_ =	sdelay $0x1  }
0x151: {  	s19 =	simm.s32 $0x1054;
	s22 =	simm.s32 $0x1844;
	v17 =	vmul.f32 v17, v27;
	v16 =	vadd.s32 v63, v24;
	v10 =	vmul.f32 v30, v10  }
0x152: {  	v25 =	vld.idx.msk [tilespmem:v25+s11+$0x0], $0xffff;
	v24 =	vor.u32 v0, v16;
	v30 =	vmov s19;
	v29 =	vmov s22  }
0x153: {  	v3 =	vld.idx.msk [tilespmem:v3+s13+$0x0], $0xffff;
	v16 =	vadd.f32 v17, v28;
	v28 =	vshrl.u32 v30, $0x3;
	v29 =	vshrl.u32 v29, $0x3  }
0x154: {  	v30 =	vmul.f32 v8, v54;
	v8 =	vshll.u32 v29, v7;
	v29 =	vadd.f32 v23, v1;
	v1 =	vld [tilespmem:$0x1FEF0];
	_ =	sdelay $0x1  }
0x155: {  	v48 =	vbroadcast v48, $0x0;
	s23 =	simm.s32 $0x184C  }
0x156: {  	s20 =	simm.s32 $0x1838;
	v55 =	vshll.u32 v28, v7;
	v28 =	vmul.f32 v39, v25;
	v25 =	vmov s23  }
0x157: {  	v48 =	vor.u32 v12, v48;
	v17 =	vor.u32 s20, v40;
	s20 =	simm.s32 $0x15040;
	v25 =	vshrl.u32 v25, $0x3  }
0x158: {  	v39 =	vmul.f32 v3, v13;
	v3 =	vadd.s32 v4, v41;
	v13 =	vshll.u32 v25, v7;
	[tilespmem:s20+$0x30] =	vst v1  }
0x159: {  	v25 =	vadd.s32 v4, v36;
	v23 =	vadd.s32 v4, v33;
	v1 =	vadd.s32 v4, v49;
	v4 =	vld [tilespmem:$0x1FF00]  }
0x15a: {  	v42 =	vadd.s32 v63, v42  }
0x15b: {  	v42 =	vor.u32 v0, v42;
	_ =	sdelay $0x1  }
0x15c: {  	s18 =	simm.s32 $0x150C0  }
0x15d: {  	v48 =	vld.idx.msk [tilespmem:v48+s13+$0x0], $0xffff;
	[tilespmem:s18+$0x30] =	vst v4  }
0x15e: {  	v4 =	vld [tilespmem:$0x1FF10]  }
0x15f: {  	v42 =	vld.idx.msk [tilespmem:v42+s11+$0x0], $0xffff;
	_ =	sdelay $0x3  }
0x160: {  	[tilespmem:s20+$0xFFFFFFC0] =	vst v4  }
0x161: {  	v11 =	vmul.f32 v48, v42;
	v42 =	vadd.f32 v10, v5;
	v10 =	vbroadcast v55, $0x0;
	v4 =	vld [tilespmem:$0x1FF20];
	_ =	sdelay $0x1  }
0x162: {  	v10 =	vor.u32 v12, v10  }
0x163: {  	s21 =	simm.s32 $0x1840;
	v25 =	vor.u32 v0, v25  }
0x164: {  	v6 =	vmov s21;
	v24 =	vld.idx.msk [tilespmem:v24+s11+$0x0], $0xffff;
	v1 =	vor.u32 v0, v1  }
0x165: {  	s25 =	simm.s32 $0x1048;
	v6 =	vshrl.u32 v6, $0x3;
	v59 =	vor.u32 v0, v23;
	v45 =	vadd.f32 v22, v4;
	v4 =	vld [tilespmem:$0x1FF30]  }
0x166: {  	s26 =	simm.s32 $0x1050;
	v6 =	vshll.u32 v6, v7;
	v17 =	vld.idx.msk [tilespmem:v17+s13+$0x0], $0xffff;
	v22 =	vor.u32 s25, v40  }
0x167: {  	s24 =	simm.s32 $0x1854;
	v57 =	vbroadcast v6, $0x0;
	v54 =	vld.idx.msk [tilespmem:v10+s13+$0x0], $0xffff;
	v10 =	vor.u32 s26, v40  }
0x168: {  	v27 =	vadd.s32 v63, v41;
	v31 =	vadd.s32 v63, v31;
	v5 =	vmov s24;
	v23 =	vld.idx.msk [tilespmem:v25+s11+$0x0], $0xffff;
	[tilespmem:s20+$0xFFFFFFF0] =	vst v32  }
0x169: {  	v61 =	vbroadcast v13, $0x0;
	v13 =	vor.u32 v40, v57;
	v25 =	vadd.s32 v63, v26;
	v26 =	vld.idx.msk [tilespmem:v1+s11+$0x0], $0xffff;
	[tilespmem:s20+$0x10] =	vst v19  }
0x16a: {  	v5 =	vshrl.u32 v5, $0x3;
	v3 =	vor.u32 v0, v3;
	[tilespmem:s20+$0xFFFFFFD0] =	vst v4;
	v4 =	vadd.s32 v63, v36;
	v36 =	vld.idx.msk [tilespmem:v59+s11+$0x0], $0xffff  }
0x16b: {  	s28 =	simm.s32 $0x1058;
	s19 =	simm.s32 $0x15140;
	v5 =	vshll.u32 v5, v7;
	v8 =	vbroadcast v8, $0x0;
	v7 =	vadd.s32 v63, v33;
	[tilespmem:s20+$0xFFFFFFE0] =	vst v56;
	v33 =	vld.idx.msk [tilespmem:v22+s13+$0x0], $0xffff  }
0x16c: {  	s31 =	simm.s32 $0x1858;
	v9 =	vadd.s32 v63, v9;
	v32 =	vmul.f32 v17, v24;
	v24 =	vor.u32 s28, v40;
	[tilespmem:s19+$0x30] =	vst v38;
	v22 =	vld.idx.msk [tilespmem:v10+s13+$0x0], $0xffff  }
0x16d: {  	s30 =	simm.s32 $0x1850;
	v50 =	vor.u32 s31, v40;
	v62 =	vbroadcast v5, $0x0;
	v8 =	vor.u32 v12, v8;
	v1 =	vld [tilespmem:$0x1FF40]  }
0x16e: {  	v37 =	vadd.s32 v63, v49;
	v48 =	vor.u32 s30, v40;
	v18 =	vadd.f32 v39, v21;
	v10 =	vld.idx.msk [tilespmem:v13+s13+$0x0], $0xffff  }
0x16f: {  	s29 =	simm.s32 $0x1848;
	v5 =	vor.u32 v12, v61;
	v61 =	vor.u32 v0, v9;
	v6 =	vld.idx.msk [tilespmem:v3+s11+$0x0], $0xffff;
	v3 =	vor.u32 v12, v62  }
0x170: {  	v62 =	vor.u32 v0, v31;
	v57 =	vor.u32 v0, v25;
	v49 =	vor.u32 s29, v40  }
0x171: {  	v56 =	vor.u32 v0, v7;
	v59 =	vor.u32 v0, v27;
	v21 =	vld.idx.msk [tilespmem:v24+s13+$0x0], $0xffff;
	v17 =	vor.u32 v0, v4  }
0x172: {  	s21 =	simm.s32 $0x10;
	s22 =	simm.s32 $0x187C;
	v19 =	vmul.f32 v54, v36;
	v54 =	vor.u32 v0, v37;
	v31 =	vadd.f32 v11, v1;
	v11 =	vld.idx.msk [tilespmem:v8+s13+$0x0], $0xffff  }
.LBB2_5:
0x173: {  	[tilespmem:$0x1FD20] =	vst v10  }
0x174: {  	[tilespmem:$0x1FC90] =	vst v20  }
0x175: {  	[tilespmem:s18+$0xFFFFFFC0] =	vst v29  }
0x176: {  	v4 =	vld.idx.msk [tilespmem:v5+s13+$0x0], $0xffff;
	[tilespmem:s18+$0xFFFFFFD0] =	vst v45  }
0x177: {  	[tilespmem:s20+$0x0] =	vst v46  }
0x178: {  	[tilespmem:s20+$0x20] =	vst v2  }
0x179: {  	v8 =	vmov v6;
	[tilespmem:$0x1FCD0] =	vst v32  }
0x17a: {  	v3 =	vld.idx.msk [tilespmem:v3+s13+$0x0], $0xffff;
	[tilespmem:$0x1FCF0] =	vst v8  }
0x17b: {  	s0 =	sadd.s32 $0xFFFFE800, s22;
	v1 =	vmov s22;
	[tilespmem:$0x1FD80] =	vst v4;
	v4 =	vmov v53  }
0x17c: {  	s1 =	sadd.s32 $0xFFFFF000, s22;
	v5 =	vadd.f32 v30, v60;
	v39 =	vadd.f32 v28, v34;
	s31 =	sadd.s32 $0xFFFFF800, s22;
	v6 =	vmov s0;
	[tilespmem:$0x1FD30] =	vst v4;
	v4 =	vld.idx.msk [tilespmem:v62+s11+$0x0], $0xffff  }
0x17d: {  	s7 =	sadd.s32 $0xFFFFEFE4, s22;
	s25 =	sadd.s32 $0xFFFFEFE8, s22;
	v28 =	vld [tilespmem:$0x1FFC0];
	v43 =	vor.u32 s0, v40;
	v29 =	vmov s1;
	v41 =	vmov s31;
	[tilespmem:s18+$0xFFFFFFF0] =	vst v31  }
0x17e: {  	s24 =	sadd.s32 $0xFFFFEFF0, s22;
	s6 =	sadd.s32 $0xFFFFE7FC, s22;
	v37 =	vmov s7;
	v47 =	vmov s25;
	v38 =	vshrl.u32 v29, $0x3;
	v29 =	vld [tilespmem:$0x1FFE0];
	[tilespmem:s18+$0x10] =	vst v39  }
0x17f: {  	s23 =	sadd.s32 $0xFFFFEFF8, s22;
	v20 =	vld [tilespmem:$0x1FFF0];
	v34 =	vmov s24;
	v8 =	vmov s6;
	v6 =	vshll.u32 v6, $0x3;
	[tilespmem:$0x1FDD0] =	vst v3;
	v3 =	vmovc v51  }
0x180: {  	v12 =	vld.idx.msk [tilespmem:v48+s13+$0x0], $0xffff;
	v41 =	vshrl.u32 v41, $0x3;
	v37 =	vshrl.u32 v37, $0x3;
	v39 =	vmov s23;
	[tilespmem:$0x1FD70] =	vst v3  }
0x181: {  	v7 =	vmovc v52;
	v47 =	vshrl.u32 v47, $0x3;
	v52 =	vshrl.u32 v39, $0x3;
	v62 =	vshrl.u32 v1, $0x3;
	v1 =	vld.idx.msk [tilespmem:v57+s11+$0x0], $0xffff;
	[tilespmem:$0x1FD10] =	vst v4;
	v4 =	vmovc v58  }
0x182: {  	v32 =	vadd.s32 v28, v6;
	v51 =	vshrl.u32 v34, $0x3;
	v3 =	vshll.u32 v43, $0x3;
	[tilespmem:$0x1FE10] =	vst v4;
	v4 =	vld.idx.msk [tilespmem:v61+s11+$0x0], $0xffff  }
0x183: {  	[tilespmem:$0x1FD60] =	vst v11;
	v11 =	vld [tilespmem:$0x1FFD0];
	v44 =	vshll.u32 v38, v29;
	v3 =	vor.u32 v0, v3;
	v45 =	vshll.u32 v62, v29  }
0x184: {  	s16 =	sadd.s32 $0xFFFFF7F0, s22;
	v2 =	vld [tilespmem:$0x1FFB0];
	[tilespmem:$0x1FD00] =	vst v33;
	v37 =	vshll.u32 v37, v29;
	v55 =	vshll.u32 v47, v29;
	v44 =	vbroadcast v44, $0x0  }
0x185: {  	v43 =	vld.idx.msk [tilespmem:v43+s13+$0x0], $0xffff;
	[tilespmem:$0x1FE00] =	vst v12;
	v51 =	vshll.u32 v51, v29;
	v52 =	vshll.u32 v52, v29;
	v47 =	vmov s16  }
0x186: {  	s14 =	sadd.s32 $0xFFFFE7F0, s22;
	v12 =	vld.idx.msk [tilespmem:v50+s13+$0x0], $0xffff;
	v45 =	vbroadcast v45, $0x0;
	v57 =	vbroadcast v55, $0x0;
	v63 =	vor.u32 v20, v44;
	[tilespmem:$0x1FD90] =	vst v1  }
0x187: {  	v10 =	vbroadcast v51, $0x0;
	v55 =	vshll.u32 v8, $0x3;
	v8 =	vor.u32 s14, v40;
	v1 =	vld.idx.msk [tilespmem:v17+s11+$0x0], $0xffff;
	[tilespmem:$0x1FD50] =	vst v4;
	v4 =	vmovc v42  }
0x188: {  	v60 =	vadd.s32 v11, v6;
	v44 =	vor.u32 v0, v32;
	v61 =	vshll.u32 v41, v29;
	[tilespmem:$0x1FE20] =	vst v4  }
0x189: {  	v6 =	vadd.s32 v2, v6;
	v33 =	vbroadcast v61, $0x0;
	v4 =	vld.idx.msk [tilespmem:v59+s11+$0x0], $0xffff;
	[tilespmem:s18+$0xFFFFFFE0] =	vst v5;
	v5 =	vor.u32 v0, v60  }
0x18a: {  	s12 =	sadd.s32 $0xFFFFE7E4, s22;
	v6 =	vor.u32 v0, v6;
	v45 =	vor.u32 v20, v45;
	v57 =	vor.u32 v20, v57;
	v3 =	vld.idx.msk [tilespmem:v3+s11+$0x0], $0xffff  }
0x18b: {  	[tilespmem:$0x1FCC0] =	vst v35;
	v41 =	vmov s12;
	v61 =	vmov s14;
	v46 =	vor.u32 v20, v33;
	v53 =	vld.idx.msk [tilespmem:v63+s13+$0x0], $0xffff  }
0x18c: {  	s5 =	sadd.s32 $0xFFFFE7F4, s22;
	v10 =	vor.u32 v20, v10;
	v35 =	vshll.u32 v41, $0x3;
	v50 =	vshll.u32 v61, $0x3;
	[tilespmem:$0x1FDF0] =	vst v1;
	v1 =	vld.idx.msk [tilespmem:v56+s11+$0x0], $0xffff  }
0x18d: {  	s9 =	sadd.s32 $0xFFFFE7E8, s22;
	v61 =	vor.u32 s6, v40;
	v63 =	vmov s5;
	v32 =	vadd.s32 v11, v50;
	v56 =	vld.idx.msk [tilespmem:v44+s11+$0x0], $0xffff  }
0x18e: {  	s17 =	sadd.s32 $0xFFFFF7E4, s22;
	v24 =	vadd.s32 v28, v50;
	v50 =	vadd.s32 v2, v50;
	v44 =	vmov s9;
	v5 =	vld.idx.msk [tilespmem:v5+s11+$0x0], $0xffff  }
0x18f: {  	v9 =	vld.idx.msk [tilespmem:v54+s11+$0x0], $0xffff;
	v54 =	vshll.u32 v63, $0x3;
	v32 =	vor.u32 v0, v32;
	v42 =	vmov s17  }
0x190: {  	s8 =	sadd.s32 $0xFFFFF7E8, s22;
	v3 =	vmul.f32 v43, v3;
	v43 =	vshll.u32 v44, $0x3;
	v41 =	vadd.s32 v11, v54;
	v46 =	vld.idx.msk [tilespmem:v46+s13+$0x0], $0xffff  }
0x191: {  	s10 =	sadd.s32 $0xFFFFE7EC, s22;
	[tilespmem:$0x1FDA0] =	vst v7;
	v6 =	vld.idx.msk [tilespmem:v6+s11+$0x0], $0xffff;
	v25 =	vadd.s32 v28, v54;
	v54 =	vadd.s32 v2, v54;
	v59 =	vmov s8  }
0x192: {  	[tilespmem:$0x1FE40] =	vst v12;
	v7 =	vld.idx.msk [tilespmem:v45+s13+$0x0], $0xffff;
	v60 =	vmov s10;
	v45 =	vshrl.u32 v42, $0x3;
	v12 =	vadd.s32 v11, v43  }
0x193: {  	s4 =	sadd.s32 $0xFFFFE7F8, s22;
	v33 =	vor.u32 v0, v41;
	v48 =	vshll.u32 v60, $0x3;
	v5 =	vmul.f32 v53, v5  }
0x194: {  	s2 =	sadd.s32 $0xFFFFF7F8, s22;
	v30 =	vld.idx.msk [tilespmem:v10+s13+$0x0], $0xffff;
	v62 =	vshll.u32 v45, v29;
	v12 =	vor.u32 v0, v12;
	[tilespmem:$0x1FDE0] =	vst v1;
	v1 =	vmov s4  }
0x195: {  	v41 =	vld.idx.msk [tilespmem:v57+s13+$0x0], $0xffff;
	[tilespmem:$0x1FDB0] =	vst v4;
	v4 =	vmov s2;
	v3 =	vadd.f32 v5, v3;
	v5 =	vmul.f32 v46, v56  }
0x196: {  	[tilespmem:$0x1FE30] =	vst v9;
	v9 =	vld.idx.msk [tilespmem:v49+s13+$0x0], $0xffff;
	v49 =	vshll.u32 v1, $0x3;
	v1 =	vshrl.u32 v4, $0x3;
	v4 =	vor.u32 s12, v40  }
0x197: {  	[tilespmem:$0x1FD40] =	vst v26;
	v63 =	vld.idx.msk [tilespmem:v61+s13+$0x0], $0xffff;
	v3 =	vadd.f32 v5, v3;
	v5 =	vmul.f32 v7, v6;
	v7 =	vor.u32 s10, v40  }
0x198: {  	v26 =	vadd.s32 v11, v48;
	v39 =	vadd.s32 v28, v48;
	v48 =	vadd.s32 v2, v48;
	v32 =	vld.idx.msk [tilespmem:v32+s11+$0x0], $0xffff  }
0x199: {  	v42 =	vadd.s32 v11, v49;
	v33 =	vld.idx.msk [tilespmem:v33+s11+$0x0], $0xffff;
	v3 =	vadd.f32 v5, v3;
	v5 =	vor.u32 s9, v40  }
0x19a: {  	v45 =	vmovc v21;
	v27 =	vadd.s32 v28, v49;
	v34 =	vor.u32 v0, v42;
	v21 =	vld.idx.msk [tilespmem:v12+s11+$0x0], $0xffff;
	v56 =	vbroadcast v52, $0x0  }
0x19b: {  	s20 =	smov.u32 s18;
	s18 =	smov.u32 s19;
	s19 =	sadd.s32 $0x80, s19;
	v49 =	vadd.s32 v2, v49;
	[tilespmem:$0x1FDC0] =	vst v9;
	v13 =	vld.idx.msk [tilespmem:v4+s13+$0x0], $0xffff;
	v46 =	vshrl.u32 v59, $0x3;
	v59 =	vor.u32 s4, v40  }
0x19c: {  	v9 =	vbroadcast v37, $0x0;
	v56 =	vor.u32 v20, v56;
	[tilespmem:s19+$0x30] =	vst v3;
	v3 =	vadd.s32 v11, v35;
	v58 =	vld.idx.msk [tilespmem:v7+s13+$0x0], $0xffff  }
0x19d: {  	v51 =	vmovc v15;
	v15 =	vshll.u32 v7, $0x3;
	v7 =	vshll.u32 v8, $0x3;
	v8 =	vld.idx.msk [tilespmem:v8+s13+$0x0], $0xffff;
	v3 =	vor.u32 v0, v3  }
0x19e: {  	v37 =	vadd.s32 v28, v43;
	v43 =	vadd.s32 v2, v43;
	v36 =	vshll.u32 v5, $0x3;
	v5 =	vld.idx.msk [tilespmem:v5+s13+$0x0], $0xffff  }
0x19f: {  	v9 =	vor.u32 v40, v9;
	v4 =	vshll.u32 v4, $0x3;
	v34 =	vld.idx.msk [tilespmem:v34+s11+$0x0], $0xffff;
	v6 =	vshrl.u32 v47, $0x3  }
0x1a0: {  	v4 =	vor.u32 v0, v4;
	v47 =	vor.u32 s5, v40;
	v6 =	vshll.u32 v6, v29;
	v60 =	vld.idx.msk [tilespmem:v59+s13+$0x0], $0xffff  }
0x1a1: {  	v53 =	vmovc v16;
	v14 =	vshll.u32 v46, v29;
	v16 =	vshll.u32 v47, $0x3;
	v6 =	vbroadcast v6, $0x0;
	v31 =	vld.idx.msk [tilespmem:v56+s13+$0x0], $0xffff  }
0x1a2: {  	v44 =	vmovc v22;
	v16 =	vor.u32 v0, v16;
	[tilespmem:$0x1FCE0] =	vst v8;
	v8 =	vshll.u32 v59, $0x3;
	v59 =	vbroadcast v62, $0x0;
	v22 =	vld.idx.msk [tilespmem:v3+s11+$0x0], $0xffff  }
0x1a3: {  	v3 =	vadd.s32 v28, v35;
	v35 =	vadd.s32 v2, v35;
	[tilespmem:$0x1FCB0] =	vst v5;
	v5 =	vadd.s32 v11, v55  }
0x1a4: {  	v46 =	vor.u32 v40, v59;
	v59 =	vadd.s32 v28, v55;
	v55 =	vadd.s32 v2, v55;
	v2 =	vld [tilespmem:$0x1FC90]  }
0x1a5: {  	s15 =	sadd.s32 $0xFFFFFFE8, s22;
	s30 =	sadd.s32 $0xFFFFEFF4, s22;
	v38 =	vld.idx.msk [tilespmem:v9+s13+$0x0], $0xffff;
	v6 =	vor.u32 v20, v6  }
0x1a6: {  	[tilespmem:$0x1FE50] =	vst v18;
	v18 =	vmov s15;
	v17 =	vshll.u32 v61, $0x3;
	v4 =	vld.idx.msk [tilespmem:v4+s11+$0x0], $0xffff;
	v56 =	vor.u32 s30, v40  }
0x1a7: {  	v18 =	vshrl.u32 v18, $0x3;
	v17 =	vor.u32 v0, v17;
	v52 =	vld.idx.msk [tilespmem:v47+s13+$0x0], $0xffff;
	v5 =	vor.u32 v0, v5  }
0x1a8: {  	v61 =	vor.u32 v0, v43;
	[tilespmem:$0x1FCA0] =	vst v13;
	v36 =	vor.u32 v0, v36;
	v47 =	vmov v19;
	v16 =	vld.idx.msk [tilespmem:v16+s11+$0x0], $0xffff  }
0x1a9: {  	s1 =	sadd.s32 $0xFFFFFFF0, s22;
	v41 =	vmul.f32 v41, v21;
	v21 =	vmul.f32 v31, v34;
	v34 =	vadd.f32 v47, v2;
	v2 =	vld [tilespmem:$0x1FCA0]  }
0x1aa: {  	s3 =	sadd.s32 $0xFFFFFFE4, s22;
	s31 =	sadd.s32 $0xFFFFEFFC, s22;
	v30 =	vmul.f32 v30, v32;
	v7 =	vor.u32 v0, v7;
	v32 =	vld.idx.msk [tilespmem:v6+s13+$0x0], $0xffff;
	v11 =	vmov s1  }
0x1ab: {  	s7 =	sadd.s32 $0xFFFFFFF8, s22;
	v42 =	vmovc v23;
	v23 =	vor.u32 s31, v40;
	v13 =	vmov s3;
	v43 =	vld.idx.msk [tilespmem:v56+s13+$0x0], $0xffff;
	v11 =	vshrl.u32 v11, $0x3  }
0x1ac: {  	v13 =	vshrl.u32 v13, $0x3;
	v19 =	vmov s7;
	v11 =	vshll.u32 v11, v29;
	v9 =	vld.idx.msk [tilespmem:v5+s11+$0x0], $0xffff  }
0x1ad: {  	v19 =	vshrl.u32 v19, $0x3;
	v8 =	vor.u32 v0, v8;
	v5 =	vbroadcast v11, $0x0;
	v11 =	vld.idx.msk [tilespmem:v36+s11+$0x0], $0xffff  }
0x1ae: {  	v13 =	vshll.u32 v13, v29;
	v19 =	vshll.u32 v19, v29;
	v4 =	vmul.f32 v2, v4;
	v2 =	vld [tilespmem:$0x1FCB0]  }
0x1af: {  	v19 =	vbroadcast v19, $0x0;
	v10 =	vor.u32 v0, v3;
	v3 =	vbroadcast v13, $0x0;
	v7 =	vld.idx.msk [tilespmem:v7+s11+$0x0], $0xffff  }
0x1b0: {  	v18 =	vshll.u32 v18, v29;
	v12 =	vor.u32 v0, v39;
	v6 =	vld [tilespmem:$0x1FCE0]  }
0x1b1: {  	v1 =	vshll.u32 v1, v29;
	v29 =	vor.u32 v40, v3;
	v3 =	vor.u32 v20, v19;
	v19 =	vld.idx.msk [tilespmem:v17+s11+$0x0], $0xffff  }
0x1b2: {  	v8 =	vld.idx.msk [tilespmem:v8+s11+$0x0], $0xffff  }
0x1b3: {  	v11 =	vmul.f32 v2, v11;
	v2 =	vld [tilespmem:$0x1FCC0]  }
0x1b4: {  	v23 =	vld.idx.msk [tilespmem:v23+s13+$0x0], $0xffff;
	v22 =	vmul.f32 v38, v22  }
0x1b5: {  	v7 =	vmul.f32 v6, v7;
	v6 =	vld.idx.msk [tilespmem:v12+s11+$0x0], $0xffff  }
0x1b6: {  	v16 =	vmul.f32 v52, v16;
	v38 =	vld.idx.msk [tilespmem:v46+s13+$0x0], $0xffff;
	v4 =	vadd.f32 v22, v4;
	v22 =	vmul.f32 v43, v33  }
0x1b7: {  	v12 =	vadd.f32 v30, v7;
	v7 =	vmul.f32 v60, v8;
	v8 =	vmul.f32 v63, v19;
	v19 =	vld [tilespmem:$0x1FD00]  }
0x1b8: {  	v46 =	vadd.f32 v51, v2;
	v51 =	vadd.f32 v22, v16;
	v16 =	vld [tilespmem:$0x1FCF0];
	_ =	sdelay $0x1  }
0x1b9: {  	v15 =	vor.u32 v0, v15;
	v9 =	vmul.f32 v23, v9  }
0x1ba: {  	v10 =	vld.idx.msk [tilespmem:v10+s11+$0x0], $0xffff  }
0x1bb: {  	v26 =	vor.u32 v0, v26;
	v14 =	vbroadcast v14, $0x0;
	v52 =	vadd.f32 v9, v8;
	v9 =	vld [tilespmem:$0x1FD10]  }
0x1bc: {  	v16 =	vmul.f32 v19, v16;
	v19 =	vld [tilespmem:$0x1FD20]  }
0x1bd: {  	v14 =	vor.u32 v20, v14  }
0x1be: {  	v15 =	vld.idx.msk [tilespmem:v15+s11+$0x0], $0xffff;
	_ =	sdelay $0x1  }
0x1bf: {  	v26 =	vld.idx.msk [tilespmem:v26+s11+$0x0], $0xffff  }
0x1c0: {  	s0 =	sadd.s32 $0xFFFFEFEC, s22;
	v10 =	vmul.f32 v38, v10;
	v9 =	vmul.f32 v19, v9;
	v19 =	vld [tilespmem:$0x1FD30]  }
0x1c1: {  	v18 =	vbroadcast v18, $0x0;
	v57 =	vor.u32 s0, v40;
	v1 =	vbroadcast v1, $0x0;
	v14 =	vld.idx.msk [tilespmem:v14+s13+$0x0], $0xffff  }
0x1c2: {  	v13 =	vor.u32 v0, v37;
	v15 =	vmul.f32 v58, v15;
	v58 =	vadd.f32 v10, v4;
	v4 =	vld [tilespmem:$0x1FDB0]  }
0x1c3: {  	v18 =	vor.u32 v20, v18;
	v10 =	vld [tilespmem:$0x1FDC0]  }
0x1c4: {  	v1 =	vor.u32 v20, v1;
	v5 =	vor.u32 v20, v5;
	v20 =	vadd.f32 v21, v7;
	v21 =	vld [tilespmem:$0x1FD60]  }
0x1c5: {  	v60 =	vadd.f32 v16, v19;
	v19 =	vld [tilespmem:$0x1FD50]  }
0x1c6: {  	v62 =	vor.u32 v0, v35;
	v35 =	vld.idx.msk [tilespmem:v57+s13+$0x0], $0xffff  }
0x1c7: {  	v13 =	vld.idx.msk [tilespmem:v13+s11+$0x0], $0xffff  }
0x1c8: {  	v30 =	vmul.f32 v10, v4;
	v4 =	vld [tilespmem:$0x1FDD0]  }
0x1c9: {  	v24 =	vor.u32 v0, v24;
	v2 =	vld [tilespmem:$0x1FCD0]  }
0x1ca: {  	v28 =	vor.u32 v0, v59;
	v19 =	vmul.f32 v21, v19;
	v21 =	vld [tilespmem:$0x1FD70]  }
0x1cb: {  	v10 =	vld [tilespmem:$0x1FDE0]  }
0x1cc: {  	v26 =	vmul.f32 v35, v26  }
0x1cd: {  	v7 =	vmul.f32 v44, v42  }
0x1ce: {  	v2 =	vadd.f32 v2, v53;
	v53 =	vadd.f32 v26, v15;
	v15 =	vld.idx.msk [tilespmem:v24+s11+$0x0], $0xffff  }
0x1cf: {  	v11 =	vadd.f32 v41, v11;
	v26 =	vld.idx.msk [tilespmem:v28+s11+$0x0], $0xffff;
	v35 =	vadd.f32 v7, v21;
	v7 =	vmul.f32 v14, v13  }
0x1d0: {  	v28 =	vmul.f32 v4, v10;
	v10 =	vld [tilespmem:$0x1FE00]  }
0x1d1: {  	v42 =	vadd.f32 v7, v11;
	v7 =	vld [tilespmem:$0x1FDF0];
	_ =	sdelay $0x3  }
0x1d2: {  	v1 =	vld.idx.msk [tilespmem:v1+s13+$0x0], $0xffff  }
0x1d3: {  	v4 =	vmul.f32 v32, v15;
	v15 =	vmul.f32 v10, v7;
	v7 =	vld [tilespmem:$0x1FE10]  }
0x1d4: {  	v27 =	vor.u32 v0, v27;
	v16 =	vld [tilespmem:$0x1FD40]  }
0x1d5: {  	v13 =	vld [tilespmem:$0x1FD80]  }
0x1d6: {  	v14 =	vld [tilespmem:$0x1FD90]  }
0x1d7: {  	v10 =	vld.idx.msk [tilespmem:v29+s13+$0x0], $0xffff  }
0x1d8: {  	v29 =	vadd.f32 v9, v7;
	v7 =	vld [tilespmem:$0x1FE20]  }
0x1d9: {  	v8 =	vld.idx.msk [tilespmem:v27+s11+$0x0], $0xffff  }
0x1da: {  	s28 =	sadd.s32 $0xFFFFF7EC, s22;
	v25 =	vor.u32 v0, v25  }
0x1db: {  	s29 =	sadd.s32 $0xFFFFF7F4, s22;
	v36 =	vor.u32 s28, v40;
	v13 =	vmul.f32 v13, v14;
	v14 =	vld [tilespmem:$0x1FDA0]  }
0x1dc: {  	v37 =	vor.u32 s29, v40;
	v9 =	vld [tilespmem:$0x1FE40]  }
0x1dd: {  	s21 =	sadd.s32 $0x8, s21;
	s26 =	sadd.s32 $0xFFFFF7FC, s22;
	v16 =	vmul.f32 v45, v16;
	v45 =	vadd.f32 v19, v7;
	v7 =	vld [tilespmem:$0x1FE30]  }
0x1de: {  	p0 =	slt.u32 s21, $0x1F8;
	v39 =	vor.u32 s26, v40;
	v19 =	vmul.f32 v1, v8;
	v1 =	vld [tilespmem:$0x1FE50]  }
.Ltmp1:
0x1df: {  	s24 =	sadd.s32 $0xFFFFFFEC, s22;
	v23 =	vld.idx.msk [tilespmem:v25+s11+$0x0], $0xffff;
	(pc) =	sbr.rel @p0 .LBB2_5-.Ltmp1, $4  }
0x1e0: {  	s25 =	sadd.s32 $0xFFFFFFF4, s22;
	s23 =	sadd.s32 $0xFFFFFFFC, s22;
	v56 =	vor.u32 v0, v49;
	v49 =	vor.u32 s24, v40;
	v57 =	vor.u32 v0, v50;
	v33 =	vld.idx.msk [tilespmem:v36+s13+$0x0], $0xffff  }
0x1e1: {  	v50 =	vor.u32 s23, v40;
	v59 =	vor.u32 v0, v48;
	v48 =	vor.u32 s25, v40;
	v22 =	vld.idx.msk [tilespmem:v37+s13+$0x0], $0xffff  }
0x1e2: {  	v17 =	vor.u32 v0, v54;
	v54 =	vor.u32 v0, v55;
	v11 =	vld.idx.msk [tilespmem:v18+s13+$0x0], $0xffff;
	v18 =	vadd.f32 v4, v12  }
0x1e3: {  	s22 =	sadd.s32 $0x20, s22;
	v21 =	vld.idx.msk [tilespmem:v39+s13+$0x0], $0xffff;
	v16 =	vadd.f32 v16, v14;
	v32 =	vmul.f32 v9, v7;
	v31 =	vadd.f32 v13, v1  }
0x1e4: {  	_ =	sdelay $0x3  }
0x1e5: {  	v12 =	vld.idx.msk [tilespmem:v5+s13+$0x0], $0xffff  }
0x1e6: {  	v1 =	vld.idx.msk [tilespmem:v3+s13+$0x0], $0xffff  }
0x1e7: {  	v3 =	vld.idx.msk [tilespmem:v62+s11+$0x0], $0xffff  }
0x1e8: {  	[tilespmem:s18+$0xFFFFFFC0] =	vst v29;
	v4 =	vld.idx.msk [tilespmem:v61+s11+$0x0], $0xffff  }
0x1e9: {  	v5 =	vadd.f32 v28, v34;
	[tilespmem:s18+$0xFFFFFFD0] =	vst v45;
	v7 =	vld.idx.msk [tilespmem:v59+s11+$0x0], $0xffff  }
0x1ea: {  	v8 =	vadd.f32 v30, v60;
	v9 =	vld.idx.msk [tilespmem:v57+s11+$0x0], $0xffff;
	[tilespmem:s20+$0x0] =	vst v46  }
0x1eb: {  	[tilespmem:s18+$0x10] =	vst v5;
	v5 =	vld.idx.msk [tilespmem:v56+s11+$0x0], $0xffff  }
0x1ec: {  	[tilespmem:s18+$0xFFFFFFE0] =	vst v8;
	v8 =	vld.idx.msk [tilespmem:v49+s13+$0x0], $0xffff  }
0x1ed: {  	[tilespmem:s20+$0x20] =	vst v2;
	v3 =	vmul.f32 v10, v3  }
0x1ee: {  	v14 =	vld.idx.msk [tilespmem:v17+s11+$0x0], $0xffff;
	[tilespmem:s18+$0xFFFFFFF0] =	vst v31;
	v4 =	vmul.f32 v11, v4  }
0x1ef: {  	v6 =	vmul.f32 v33, v6;
	v11 =	vld.idx.msk [tilespmem:v48+s13+$0x0], $0xffff;
	v13 =	vmul.f32 v12, v9;
	v3 =	vadd.f32 v3, v58  }
0x1f0: {  	v10 =	vld.idx.msk [tilespmem:v54+s11+$0x0], $0xffff;
	v12 =	vadd.f32 v19, v20;
	v1 =	vmul.f32 v1, v5;
	v4 =	vadd.f32 v4, v42  }
0x1f1: {  	v5 =	vadd.f32 v6, v53;
	v6 =	vmul.f32 v8, v7;
	v7 =	vadd.f32 v13, v18;
	[tilespmem:s19+$0xFFFFFFC0] =	vst v3  }
0x1f2: {  	v9 =	vld.idx.msk [tilespmem:v50+s13+$0x0], $0xffff;
	v3 =	vmul.f32 v22, v23;
	v1 =	vadd.f32 v1, v12;
	[tilespmem:s19+$0xFFFFFFD0] =	vst v4  }
0x1f3: {  	v5 =	vadd.f32 v6, v5;
	[tilespmem:s19+$0xFFFFFFF0] =	vst v7  }
0x1f4: {  	v7 =	vadd.f32 v15, v35;
	v8 =	vmul.f32 v11, v14;
	v3 =	vadd.f32 v3, v51;
	[tilespmem:s19+$0x10] =	vst v1  }
0x1f5: {  	v4 =	vmul.f32 v21, v26;
	v1 =	vadd.f32 v32, v16;
	[tilespmem:s19+$0xFFFFFFE0] =	vst v5  }
0x1f6: {  	[tilespmem:s18+$0x0] =	vst v7;
	v3 =	vadd.f32 v8, v3  }
0x1f7: {  	v6 =	vmul.f32 v9, v10;
	v4 =	vadd.f32 v4, v52;
	[tilespmem:s18+$0x20] =	vst v1  }
0x1f8: {  	[tilespmem:s19+$0x0] =	vst v3  }
0x1f9: {  	v1 =	vadd.f32 v6, v4;
	s0 =	rddreg [dreg:$0x9]  }
0x1fa: {  	s1 =	rddreg [dreg:$0x1];
	s5 =	simm.s32 $0x0;
	s0 =	sshrl.u32 s0, $0x1  }
0x1fb: {  	s30 =	simm.s32 $0x15000;
	s4 =	simm.s32 $0x2;
	[tilespmem:s19+$0x20] =	vst v1;
	s0 =	sadd.s32 s1, s0  }
0x1fc: {  	[hbm4b:s0+s5] =	stream.linear.scatter [tilespmem:s30], [sflag:$0x2], $0x2000, $0x38;
	[tilespmem:$0x17000] =	vst v63  }
0x1fd: {  	_ =	swait.ge [sflag:s4], $0x2000  }
0x1fe: {  	v1 =	vld [tilespmem:$0x1FF50]  }
0x1ff: {  	v4 =	vld [tilespmem:$0x1FF60]  }
0x200: {  	v7 =	vld [tilespmem:$0x1FF70]  }
0x201: {  	s31 =	rddreg [dreg:$0x8];
	v8 =	vld [tilespmem:$0x1FF80]  }
0x202: {  	v9 =	vld [tilespmem:$0x1FF90];
	s0 =	sadd.s32 $0x1, s31  }
0x203: {  	v10 =	vld [tilespmem:$0x1FFA0];
	p0 =	sne.s32 s0, $0x20  }
.Ltmp2:
0x204: {  	v63 =	vld [tilespmem:$0x1FFB0];
	(pc) =	sbr.rel @p0 .LBB2_2-.Ltmp2, $4  }
0x205: {  	v47 =	vld [tilespmem:$0x1FFC0]  }
0x206: {  	v46 =	vld [tilespmem:$0x1FFD0]  }
0x207: {  	[sflag:s4] =	ssyncset.done $0x0;
	v48 =	vld [tilespmem:$0x1FFE0]  }
0x208: {  	v2 =	vmov v40;
	v12 =	vld [tilespmem:$0x1FFF0];
	[sflag:s4] =	ssyncadd.s32 $0xFFFFE000  }
0x209: {  	s1 =	rddreg [dreg:$0x7]  }
0x20a: {  	s0 =	rddreg [dreg:$0x6];
	s1 =	sadd.s32 $0x1, s1  }
0x20b: {  	p0 =	sne.s32 s1, s0  }
.Ltmp3:
0x20c: {  	_ = 	snop;
	(pc) =	sbr.rel @p0 .LBB2_1-.Ltmp3, $1  }
0x20d: {  	_ =	sdelay $0x3  }
0x20e: {  	_ =	sfence.sel $0x180000  }
0x20f: {  	[bflag:$0x0] =	sbarrier.arrive $0xFFFF  }
0x210: {  	_ =	strace $0x90000047  }
0x211: {  	s0 =	stileid.u32;
	[bflag:$0x2] =	sbarrier.arrive $0xFFFF  }
0x212: {  	p0 =	sne.s32 s0, $0x0;
	s0 =	rddreg [dreg:$0x2]  }
0x213: {  	s0 =	sadd.s32 @!p0 $0x100000, s0  }
0x214: {  	[sflag:s0] =	ssyncadd.tile.s32 @!p0 $0x1;
	_ =	shalt  }
.Lfunc_end2:
_tile_overlayer_lowered:
.L_overlay_start_2:
0x215: {  	(tag) =	ssettag $0x2  }
0x216: {  	s0 =	rddreg [dreg:$0x0];
	s2 =	stileid.u32  }
0x217: {  	s1 =	rddreg [dreg:$0x1];
	p0 =	sne.s32 s2, $0x0  }
0x218: {  	s3 =	rddreg [dreg:$0x2];
	[bflag:$0x3] =	sbarrier.arrive $0xFFFF;
	s2 =	simm.s32 @!p0 $0x1C02  }
0x219: {  	[timem:s3], [sflag:s2] =	dma.local @!p0 [hbm:s0], s1  }
0x21a: {  	s0 =	simm.s32 @!p0 $0x2  }
0x21b: {  	_ =	swait.ge @!p0 [sflag:s0], s1  }
0x21c: {  	s1 =	ssub.s32 @!p0 $0x0, s1;
	[sflag:s0] =	ssyncset.done @!p0 $0x0  }
0x21d: {  	[sflag:s0] =	ssyncadd.s32 @!p0 s1  }
0x21e: {  	[bflag:$0x3] =	sbarrier.arrive $0xFFFF  }
0x21f: {  	_ =	shalt  }

</sc_bundles>
